<compile_context>
chip_gen: v7x
topology: tpu7x:2x2x1
jax: 0.10.2.dev20260603
libtpu: 0.0.44.dev20260713+nightly
codegen_flags: <defaults>
</compile_context>

<pallas_src>
import functools

import jax
import jax.numpy as jnp
from jax import lax
from jax.experimental import pallas as pl
from jax.experimental.pallas import tpu as pltpu
from jax.experimental.pallas import tpu_sc as plsc

D_MODEL = 64
SCALE = 8.0
NUM_CORES = 2
NUM_SUBCORES = 16
NUM_WORKERS = NUM_CORES * NUM_SUBCORES
CHUNK = 256
ROWS_PER_ITER = 4
LANES = 16


@functools.lru_cache(maxsize=None)
def _make_gather(B: int, V: int):
    b_per_w = B // NUM_WORKERS
    n_chunks = b_per_w // CHUNK
    mesh = plsc.VectorSubcoreMesh(core_axis_name="c", subcore_axis_name="s")

    @functools.partial(
        pl.kernel,
        mesh=mesh,
        out_type=jax.ShapeDtypeStruct((B // 2, 2 * D_MODEL), jnp.float32),
        scratch_types=[
            pltpu.VMEM((b_per_w,), jnp.int32),
            pltpu.VMEM((CHUNK, D_MODEL), jnp.float32),
            pltpu.VMEM((CHUNK, D_MODEL), jnp.float32),
            pltpu.VMEM((CHUNK // 2, 2 * D_MODEL), jnp.float32),
            pltpu.VMEM((CHUNK // 2, 2 * D_MODEL), jnp.float32),
            pltpu.SemaphoreType.DMA,
            pltpu.SemaphoreType.DMA,
        ],
        compiler_params=pltpu.CompilerParams(use_tc_tiling_on_sc=False),
    )
    def emb(x_hbm, t_hbm, out_hbm, idx_all, rows0, rows1, o20, o21, sem0, sem1):
        wid = lax.axis_index("s") * NUM_CORES + lax.axis_index("c")
        base = pl.multiple_of(wid * b_per_w, 8)
        obase = pl.multiple_of(wid * (b_per_w // 2), 8)
        rows = (rows0, rows1)
        o2s = (o20, o21)
        sems = (sem0, sem1)

        pltpu.sync_copy(x_hbm.at[pl.ds(base, b_per_w)], idx_all)
        pltpu.async_copy(t_hbm.at[idx_all.at[pl.ds(0, CHUNK)]], rows0, sem0)

        def super_body(h, carry):
            for b in range(2):
                g = 2 * h + b

                @pl.when(g + 1 < n_chunks)
                def _():
                    nxt = pl.multiple_of((g + 1) * CHUNK, 8)
                    pltpu.async_copy(
                        t_hbm.at[idx_all.at[pl.ds(nxt, CHUNK)]],
                        rows[1 - b],
                        sems[1 - b],
                    )

                goff = pl.multiple_of(g * CHUNK, 8)
                pltpu.make_async_copy(
                    t_hbm.at[idx_all.at[pl.ds(goff, CHUNK)]], rows[b], sems[b]
                ).wait()

                def pack_body(i, carry2):
                    for u in range(ROWS_PER_ITER):
                        m = i * ROWS_PER_ITER + u
                        for j in range(D_MODEL // LANES):
                            sl = pl.ds(j * LANES, LANES)
                            o2s[b][m, sl] = rows[b][2 * m, sl] * SCALE
                            sl2 = pl.ds(D_MODEL + j * LANES, LANES)
                            o2s[b][m, sl2] = rows[b][2 * m + 1, sl] * SCALE
                    return carry2

                lax.fori_loop(0, CHUNK // (2 * ROWS_PER_ITER), pack_body, 0)
                oo = pl.multiple_of(obase + g * (CHUNK // 2), 8)
                pltpu.sync_copy(o2s[b], out_hbm.at[pl.ds(oo, CHUNK // 2)])
            return carry

        lax.fori_loop(0, n_chunks // 2, super_body, 0)

    return emb


def kernel(x, table):
    B = x.size
    V = table.shape[0]
    t_feat = lax.optimization_barrier(table.T)
    t_lin = t_feat.T
    o2 = _make_gather(B, V)(x.reshape(-1), t_lin)
    return o2.reshape(*x.shape, D_MODEL)

# --- scband reference (transcript-rebuilt; emitter-appended) ---
"""Pipeline reference for scband-input-embeddings-8048768713360 (READ-ONLY COPY).

The authoritative reference and input builder live on the scoring server;
editing this copy changes nothing except your own understanding.
"""

import jax, jax.numpy as jnp
import numpy as np

D_MODEL = 64
VOCAB_SIZE = 1000000

def setup_inputs(seed: int = 0) -> dict:
    key = jax.random.key(seed)
    k1, k2 = jax.random.split(key)
    x = jax.random.randint(k1, (4096, 200), 0, VOCAB_SIZE, dtype=jnp.int64 if jax.config.jax_enable_x64 else jnp.int32)
    table = jax.random.normal(k2, (VOCAB_SIZE, D_MODEL), dtype=jnp.float32)
    return {"x": x, "table": table}

def reference(x, table):
    # nn.Embedding lookup followed by scaling by sqrt(d_model)
    emb = jnp.take(table, x, axis=0)
    return emb * (D_MODEL ** 0.5)

if __name__ == "__main__":
    import jax
    _d = setup_inputs()
    print(jax.jit(kernel)(*tuple(_d.values())))

</pallas_src>

<mosaic_0001>
#map = affine_map<(d0, d1) -> (0)>
#map1 = affine_map<(d0, d1) -> (0, 0)>
module attributes {stable_mosaic.version = 14 : i64} {
  func.func @emb(%arg0: i32, %arg1: i32, %arg2: memref<819200xi32, #tpu.memory_space<hbm>>, %arg3: memref<1000000x64xf32, #tpu.memory_space<hbm>>, %arg4: memref<409600x128xf32, #tpu.memory_space<hbm>>, %arg5: memref<25600xi32, #tpu.memory_space<vmem>>, %arg6: memref<256x64xf32, #tpu.memory_space<vmem>>, %arg7: memref<256x64xf32, #tpu.memory_space<vmem>>, %arg8: memref<128x128xf32, #tpu.memory_space<vmem>>, %arg9: memref<128x128xf32, #tpu.memory_space<vmem>>, %arg10: memref<!tpu.dma_semaphore, #tpu.memory_space<semaphore_mem>>, %arg11: memref<!tpu.dma_semaphore, #tpu.memory_space<semaphore_mem>>) attributes {dimension_semantics = [#tpu.dimension_semantics<core_parallel>, #tpu.dimension_semantics<subcore_parallel>], iteration_bounds = array<i64: 2, 16>, scalar_prefetch = 0 : i64, scratch_operands = 7 : i64, tpu.core_type = #tpu.core_type<sc_vector_subcore>, window_params = [{transform_indices = #map}, {transform_indices = #map1}, {transform_indices = #map1}]} {
    %mul3A = arith.constant 2 : i32
    %mul3A_0 = arith.muli %arg1, %mul3A : i32
    %add3A = arith.addi %mul3A_0, %arg0 : i32
    %mul3A_1 = arith.constant 25600 : i32
    %mul3A_2 = arith.muli %add3A, %mul3A_1 : i32
    %multiple_of3A = tpu.assume_multiple %mul3A_2, 8 : i32
    %mul3A_3 = arith.constant 12800 : i32
    %mul3A_4 = arith.muli %add3A, %mul3A_3 : i32
    %multiple_of3A_5 = tpu.assume_multiple %mul3A_4, 8 : i32
    "tpu.region"() ({
      %run_scoped3A = tpu.sem_alloc : memref<!tpu.dma_semaphore, #tpu.memory_space<semaphore_mem>>
      %dma_start3A_15 = tpu.memref_slice %arg2[%multiple_of3A] : memref<819200xi32, #tpu.memory_space<hbm>> -> memref<25600xi32, #tpu.memory_space<hbm>>
      %dma_start3A_16 = tpu.memref_slice %arg2[%multiple_of3A] : memref<819200xi32, #tpu.memory_space<hbm>> -> memref<25600xi32, #tpu.memory_space<hbm>>
      tpu.enqueue_dma source(%dma_start3A_16 : memref<25600xi32, #tpu.memory_space<hbm>>) target(%arg5 : memref<25600xi32, #tpu.memory_space<vmem>>) target_semaphore(%run_scoped3A : memref<!tpu.dma_semaphore, #tpu.memory_space<semaphore_mem>>)
      %dma_wait3A = tpu.memref_slice %arg2[%multiple_of3A] : memref<819200xi32, #tpu.memory_space<hbm>> -> memref<25600xi32, #tpu.memory_space<hbm>>
      %dma_wait3A_17 = tpu.memref_slice %arg2[%multiple_of3A] : memref<819200xi32, #tpu.memory_space<hbm>> -> memref<25600xi32, #tpu.memory_space<hbm>>
      tpu.wait_dma2 semaphore(%run_scoped3A : memref<!tpu.dma_semaphore, #tpu.memory_space<semaphore_mem>>) src(%dma_wait3A_17 : memref<25600xi32, #tpu.memory_space<hbm>>) dst(%arg5 : memref<25600xi32, #tpu.memory_space<vmem>>)
      tpu.yield
    }) : () -> ()
    %dma_start3A = arith.constant 0 : i32
    %dma_start3A_6 = tpu.memref_slice %arg5[%dma_start3A] : memref<25600xi32, #tpu.memory_space<vmem>> -> memref<256xi32, #tpu.memory_space<vmem>>
    %dma_start3A_7 = arith.constant 0 : i32
    %dma_start3A_8 = arith.constant 0 : i32
    %dma_start3A_9 = tpu.memref_slice %arg3[%dma_start3A_7, %dma_start3A_8] : memref<1000000x64xf32, #tpu.memory_space<hbm>> -> memref<1000000x64xf32, #tpu.memory_space<hbm>>
    tpu.enqueue_indirect_dma source(%dma_start3A_9 : memref<1000000x64xf32, #tpu.memory_space<hbm>>) target(%arg6 : memref<256x64xf32, #tpu.memory_space<vmem>>) offsets(%dma_start3A_6 : memref<256xi32, #tpu.memory_space<vmem>>) semaphore(%arg10 : memref<!tpu.dma_semaphore, #tpu.memory_space<semaphore_mem>>)
    %scan3A = arith.constant 0 : i32
    %scan3A_10 = arith.constant 0 : i32
    %scan3A_11 = arith.constant 50 : i32
    %scan3A_12 = arith.addi %scan3A_10, %scan3A_11 : i32
    %scan3A_13 = arith.constant 1 : i32
    scf.for %scan3A_15 = %scan3A_10 to %scan3A_12 step %scan3A_13  : i32 {
      %mul3A_16 = arith.constant 2 : i32
      %mul3A_17 = arith.muli %mul3A_16, %scan3A_15 : i32
      %add3A_18 = arith.constant 0 : i32
      %add3A_19 = arith.addi %mul3A_17, %add3A_18 : i32
      %add3A_20 = arith.constant 1 : i32
      %add3A_21 = arith.addi %add3A_19, %add3A_20 : i32
      %lt3A = arith.constant 100 : i32
      %lt3A_22 = arith.cmpi slt, %add3A_21, %lt3A : i32
      %convert_element_type3A = arith.extui %lt3A_22 : i1 to i32
      %cond3A = arith.constant 0 : i32
      %cond3A_23 = arith.cmpi ne, %convert_element_type3A, %cond3A : i32
      scf.if %cond3A_23 {
        %add3A_68 = arith.constant 1 : i32
        %add3A_69 = arith.addi %add3A_19, %add3A_68 : i32
        %mul3A_70 = arith.constant 256 : i32
        %mul3A_71 = arith.muli %add3A_69, %mul3A_70 : i32
        %multiple_of3A_72 = tpu.assume_multiple %mul3A_71, 8 : i32
        %dma_start3A_73 = tpu.memref_slice %arg5[%multiple_of3A_72] : memref<25600xi32, #tpu.memory_space<vmem>> -> memref<256xi32, #tpu.memory_space<vmem>>
        %dma_start3A_74 = arith.constant 0 : i32
        %dma_start3A_75 = arith.constant 0 : i32
        %dma_start3A_76 = tpu.memref_slice %arg3[%dma_start3A_74, %dma_start3A_75] : memref<1000000x64xf32, #tpu.memory_space<hbm>> -> memref<1000000x64xf32, #tpu.memory_space<hbm>>
        tpu.enqueue_indirect_dma source(%dma_start3A_76 : memref<1000000x64xf32, #tpu.memory_space<hbm>>) target(%arg7 : memref<256x64xf32, #tpu.memory_space<vmem>>) offsets(%dma_start3A_73 : memref<256xi32, #tpu.memory_space<vmem>>) semaphore(%arg11 : memref<!tpu.dma_semaphore, #tpu.memory_space<semaphore_mem>>)
      } else {
      }
      %mul3A_24 = arith.constant 256 : i32
      %mul3A_25 = arith.muli %add3A_19, %mul3A_24 : i32
      %multiple_of3A_26 = tpu.assume_multiple %mul3A_25, 8 : i32
      %dma_wait3A = tpu.memref_slice %arg5[%multiple_of3A_26] : memref<25600xi32, #tpu.memory_space<vmem>> -> memref<256xi32, #tpu.memory_space<vmem>>
      %dma_wait3A_27 = arith.constant 0 : i32
      %dma_wait3A_28 = arith.constant 0 : i32
      %dma_wait3A_29 = tpu.memref_slice %arg3[%dma_wait3A_27, %dma_wait3A_28] : memref<1000000x64xf32, #tpu.memory_space<hbm>> -> memref<1000000x64xf32, #tpu.memory_space<hbm>>
      tpu.wait_indirect_dma semaphore(%arg10 : memref<!tpu.dma_semaphore, #tpu.memory_space<semaphore_mem>>) src(%dma_wait3A_29 : memref<1000000x64xf32, #tpu.memory_space<hbm>>) dst(%arg6 : memref<256x64xf32, #tpu.memory_space<vmem>>)
      %scan3A_30 = arith.constant 0 : i32
      %scan3A_31 = arith.constant 0 : i32
      %scan3A_32 = arith.constant 32 : i32
      %scan3A_33 = arith.addi %scan3A_31, %scan3A_32 : i32
      %scan3A_34 = arith.constant 1 : i32
      scf.for %scan3A_68 = %scan3A_31 to %scan3A_33 step %scan3A_34  : i32 {
        %mul3A_69 = arith.constant 4 : i32
        %mul3A_70 = arith.muli %scan3A_68, %mul3A_69 : i32
        %add3A_71 = arith.constant 0 : i32
        %add3A_72 = arith.addi %mul3A_70, %add3A_71 : i32
        %mul3A_73 = arith.constant 2 : i32
        %mul3A_74 = arith.muli %mul3A_73, %add3A_72 : i32
        %get3A = arith.index_cast %mul3A_74 : i32 to index
        %get3A_75 = arith.constant 0 : index
        %get3A_76 = tpu.vector_load %arg6[%get3A, %get3A_75] {strides = array<i32>} : memref<256x64xf32, #tpu.memory_space<vmem>>, vector<1x16xf32>,
        %get3A_77 = vector.shape_cast %get3A_76 : vector<1x16xf32> to vector<16xf32>
        %mul3A_78 = arith.constant 8.000000e+00 : f32
        %mul3A_79 = vector.broadcast %mul3A_78 : f32 to vector<16xf32>
        %mul3A_80 = arith.mulf %get3A_77, %mul3A_79 : vector<16xf32>
        %swap3A = arith.index_cast %add3A_72 : i32 to index
        %swap3A_81 = arith.constant 0 : index
        %swap3A_82 = tpu.vector_load %arg8[%swap3A, %swap3A_81] {strides = array<i32>} : memref<128x128xf32, #tpu.memory_space<vmem>>, vector<1x16xf32>,
        %swap3A_83 = vector.shape_cast %swap3A_82 : vector<1x16xf32> to vector<16xf32>
        %swap3A_84 = vector.shape_cast %mul3A_80 : vector<16xf32> to vector<1x16xf32>
        tpu.vector_store %arg8[%swap3A, %swap3A_81], %swap3A_84 {strides = array<i32>} : memref<128x128xf32, #tpu.memory_space<vmem>>, vector<1x16xf32>,
        %mul3A_85 = arith.constant 2 : i32
        %mul3A_86 = arith.muli %mul3A_85, %add3A_72 : i32
        %add3A_87 = arith.constant 1 : i32
        %add3A_88 = arith.addi %mul3A_86, %add3A_87 : i32
        %get3A_89 = arith.index_cast %add3A_88 : i32 to index
        %get3A_90 = arith.constant 0 : index
        %get3A_91 = tpu.vector_load %arg6[%get3A_89, %get3A_90] {strides = array<i32>} : memref<256x64xf32, #tpu.memory_space<vmem>>, vector<1x16xf32>,
        %get3A_92 = vector.shape_cast %get3A_91 : vector<1x16xf32> to vector<16xf32>
        %mul3A_93 = arith.constant 8.000000e+00 : f32
        %mul3A_94 = vector.broadcast %mul3A_93 : f32 to vector<16xf32>
        %mul3A_95 = arith.mulf %get3A_92, %mul3A_94 : vector<16xf32>
        %swap3A_96 = arith.index_cast %add3A_72 : i32 to index
        %swap3A_97 = arith.constant 64 : index
        %swap3A_98 = tpu.vector_load %arg8[%swap3A_96, %swap3A_97] {strides = array<i32>} : memref<128x128xf32, #tpu.memory_space<vmem>>, vector<1x16xf32>,
        %swap3A_99 = vector.shape_cast %swap3A_98 : vector<1x16xf32> to vector<16xf32>
        %swap3A_100 = vector.shape_cast %mul3A_95 : vector<16xf32> to vector<1x16xf32>
        tpu.vector_store %arg8[%swap3A_96, %swap3A_97], %swap3A_100 {strides = array<i32>} : memref<128x128xf32, #tpu.memory_space<vmem>>, vector<1x16xf32>,
        %mul3A_101 = arith.constant 2 : i32
        %mul3A_102 = arith.muli %mul3A_101, %add3A_72 : i32
        %get3A_103 = arith.index_cast %mul3A_102 : i32 to index
        %get3A_104 = arith.constant 16 : index
        %get3A_105 = tpu.vector_load %arg6[%get3A_103, %get3A_104] {strides = array<i32>} : memref<256x64xf32, #tpu.memory_space<vmem>>, vector<1x16xf32>,
        %get3A_106 = vector.shape_cast %get3A_105 : vector<1x16xf32> to vector<16xf32>
        %mul3A_107 = arith.constant 8.000000e+00 : f32
        %mul3A_108 = vector.broadcast %mul3A_107 : f32 to vector<16xf32>
        %mul3A_109 = arith.mulf %get3A_106, %mul3A_108 : vector<16xf32>
        %swap3A_110 = arith.index_cast %add3A_72 : i32 to index
        %swap3A_111 = arith.constant 16 : index
        %swap3A_112 = tpu.vector_load %arg8[%swap3A_110, %swap3A_111] {strides = array<i32>} : memref<128x128xf32, #tpu.memory_space<vmem>>, vector<1x16xf32>,
        %swap3A_113 = vector.shape_cast %swap3A_112 : vector<1x16xf32> to vector<16xf32>
        %swap3A_114 = vector.shape_cast %mul3A_109 : vector<16xf32> to vector<1x16xf32>
        tpu.vector_store %arg8[%swap3A_110, %swap3A_111], %swap3A_114 {strides = array<i32>} : memref<128x128xf32, #tpu.memory_space<vmem>>, vector<1x16xf32>,
        %mul3A_115 = arith.constant 2 : i32
        %mul3A_116 = arith.muli %mul3A_115, %add3A_72 : i32
        %add3A_117 = arith.constant 1 : i32
        %add3A_118 = arith.addi %mul3A_116, %add3A_117 : i32
        %get3A_119 = arith.index_cast %add3A_118 : i32 to index
        %get3A_120 = arith.constant 16 : index
        %get3A_121 = tpu.vector_load %arg6[%get3A_119, %get3A_120] {strides = array<i32>} : memref<256x64xf32, #tpu.memory_space<vmem>>, vector<1x16xf32>,
        %get3A_122 = vector.shape_cast %get3A_121 : vector<1x16xf32> to vector<16xf32>
        %mul3A_123 = arith.constant 8.000000e+00 : f32
        %mul3A_124 = vector.broadcast %mul3A_123 : f32 to vector<16xf32>
        %mul3A_125 = arith.mulf %get3A_122, %mul3A_124 : vector<16xf32>
        %swap3A_126 = arith.index_cast %add3A_72 : i32 to index
        %swap3A_127 = arith.constant 80 : index
        %swap3A_128 = tpu.vector_load %arg8[%swap3A_126, %swap3A_127] {strides = array<i32>} : memref<128x128xf32, #tpu.memory_space<vmem>>, vector<1x16xf32>,
        %swap3A_129 = vector.shape_cast %swap3A_128 : vector<1x16xf32> to vector<16xf32>
        %swap3A_130 = vector.shape_cast %mul3A_125 : vector<16xf32> to vector<1x16xf32>
        tpu.vector_store %arg8[%swap3A_126, %swap3A_127], %swap3A_130 {strides = array<i32>} : memref<128x128xf32, #tpu.memory_space<vmem>>, vector<1x16xf32>,
        %mul3A_131 = arith.constant 2 : i32
        %mul3A_132 = arith.muli %mul3A_131, %add3A_72 : i32
        %get3A_133 = arith.index_cast %mul3A_132 : i32 to index
        %get3A_134 = arith.constant 32 : index
        %get3A_135 = tpu.vector_load %arg6[%get3A_133, %get3A_134] {strides = array<i32>} : memref<256x64xf32, #tpu.memory_space<vmem>>, vector<1x16xf32>,
        %get3A_136 = vector.shape_cast %get3A_135 : vector<1x16xf32> to vector<16xf32>
        %mul3A_137 = arith.constant 8.000000e+00 : f32
        %mul3A_138 = vector.broadcast %mul3A_137 : f32 to vector<16xf32>
        %mul3A_139 = arith.mulf %get3A_136, %mul3A_138 : vector<16xf32>
        %swap3A_140 = arith.index_cast %add3A_72 : i32 to index
        %swap3A_141 = arith.constant 32 : index
        %swap3A_142 = tpu.vector_load %arg8[%swap3A_140, %swap3A_141] {strides = array<i32>} : memref<128x128xf32, #tpu.memory_space<vmem>>, vector<1x16xf32>,
        %swap3A_143 = vector.shape_cast %swap3A_142 : vector<1x16xf32> to vector<16xf32>
        %swap3A_144 = vector.shape_cast %mul3A_139 : vector<16xf32> to vector<1x16xf32>
        tpu.vector_store %arg8[%swap3A_140, %swap3A_141], %swap3A_144 {strides = array<i32>} : memref<128x128xf32, #tpu.memory_space<vmem>>, vector<1x16xf32>,
        %mul3A_145 = arith.constant 2 : i32
        %mul3A_146 = arith.muli %mul3A_145, %add3A_72 : i32
        %add3A_147 = arith.constant 1 : i32
        %add3A_148 = arith.addi %mul3A_146, %add3A_147 : i32
        %get3A_149 = arith.index_cast %add3A_148 : i32 to index
        %get3A_150 = arith.constant 32 : index
        %get3A_151 = tpu.vector_load %arg6[%get3A_149, %get3A_150] {strides = array<i32>} : memref<256x64xf32, #tpu.memory_space<vmem>>, vector<1x16xf32>,
        %get3A_152 = vector.shape_cast %get3A_151 : vector<1x16xf32> to vector<16xf32>
        %mul3A_153 = arith.constant 8.000000e+00 : f32
        %mul3A_154 = vector.broadcast %mul3A_153 : f32 to vector<16xf32>
        %mul3A_155 = arith.mulf %get3A_152, %mul3A_154 : vector<16xf32>
        %swap3A_156 = arith.index_cast %add3A_72 : i32 to index
        %swap3A_157 = arith.constant 96 : index
        %swap3A_158 = tpu.vector_load %arg8[%swap3A_156, %swap3A_157] {strides = array<i32>} : memref<128x128xf32, #tpu.memory_space<vmem>>, vector<1x16xf32>,
        %swap3A_159 = vector.shape_cast %swap3A_158 : vector<1x16xf32> to vector<16xf32>
        %swap3A_160 = vector.shape_cast %mul3A_155 : vector<16xf32> to vector<1x16xf32>
        tpu.vector_store %arg8[%swap3A_156, %swap3A_157], %swap3A_160 {strides = array<i32>} : memref<128x128xf32, #tpu.memory_space<vmem>>, vector<1x16xf32>,
        %mul3A_161 = arith.constant 2 : i32
        %mul3A_162 = arith.muli %mul3A_161, %add3A_72 : i32
        %get3A_163 = arith.index_cast %mul3A_162 : i32 to index
        %get3A_164 = arith.constant 48 : index
        %get3A_165 = tpu.vector_load %arg6[%get3A_163, %get3A_164] {strides = array<i32>} : memref<256x64xf32, #tpu.memory_space<vmem>>, vector<1x16xf32>,
        %get3A_166 = vector.shape_cast %get3A_165 : vector<1x16xf32> to vector<16xf32>
        %mul3A_167 = arith.constant 8.000000e+00 : f32
        %mul3A_168 = vector.broadcast %mul3A_167 : f32 to vector<16xf32>
        %mul3A_169 = arith.mulf %get3A_166, %mul3A_168 : vector<16xf32>
        %swap3A_170 = arith.index_cast %add3A_72 : i32 to index
        %swap3A_171 = arith.constant 48 : index
        %swap3A_172 = tpu.vector_load %arg8[%swap3A_170, %swap3A_171] {strides = array<i32>} : memref<128x128xf32, #tpu.memory_space<vmem>>, vector<1x16xf32>,
        %swap3A_173 = vector.shape_cast %swap3A_172 : vector<1x16xf32> to vector<16xf32>
        %swap3A_174 = vector.shape_cast %mul3A_169 : vector<16xf32> to vector<1x16xf32>
        tpu.vector_store %arg8[%swap3A_170, %swap3A_171], %swap3A_174 {strides = array<i32>} : memref<128x128xf32, #tpu.memory_space<vmem>>, vector<1x16xf32>,
        %mul3A_175 = arith.constant 2 : i32
        %mul3A_176 = arith.muli %mul3A_175, %add3A_72 : i32
        %add3A_177 = arith.constant 1 : i32
        %add3A_178 = arith.addi %mul3A_176, %add3A_177 : i32
        %get3A_179 = arith.index_cast %add3A_178 : i32 to index
        %get3A_180 = arith.constant 48 : index
        %get3A_181 = tpu.vector_load %arg6[%get3A_179, %get3A_180] {strides = array<i32>} : memref<256x64xf32, #tpu.memory_space<vmem>>, vector<1x16xf32>,
        %get3A_182 = vector.shape_cast %get3A_181 : vector<1x16xf32> to vector<16xf32>
        %mul3A_183 = arith.constant 8.000000e+00 : f32
        %mul3A_184 = vector.broadcast %mul3A_183 : f32 to vector<16xf32>
        %mul3A_185 = arith.mulf %get3A_182, %mul3A_184 : vector<16xf32>
        %swap3A_186 = arith.index_cast %add3A_72 : i32 to index
        %swap3A_187 = arith.constant 112 : index
        %swap3A_188 = tpu.vector_load %arg8[%swap3A_186, %swap3A_187] {strides = array<i32>} : memref<128x128xf32, #tpu.memory_space<vmem>>, vector<1x16xf32>,
        %swap3A_189 = vector.shape_cast %swap3A_188 : vector<1x16xf32> to vector<16xf32>
        %swap3A_190 = vector.shape_cast %mul3A_185 : vector<16xf32> to vector<1x16xf32>
        tpu.vector_store %arg8[%swap3A_186, %swap3A_187], %swap3A_190 {strides = array<i32>} : memref<128x128xf32, #tpu.memory_space<vmem>>, vector<1x16xf32>,
        %mul3A_191 = arith.constant 4 : i32
        %mul3A_192 = arith.muli %scan3A_68, %mul3A_191 : i32
        %add3A_193 = arith.constant 1 : i32
        %add3A_194 = arith.addi %mul3A_192, %add3A_193 : i32
        %mul3A_195 = arith.constant 2 : i32
        %mul3A_196 = arith.muli %mul3A_195, %add3A_194 : i32
        %get3A_197 = arith.index_cast %mul3A_196 : i32 to index
        %get3A_198 = arith.constant 0 : index
        %get3A_199 = tpu.vector_load %arg6[%get3A_197, %get3A_198] {strides = array<i32>} : memref<256x64xf32, #tpu.memory_space<vmem>>, vector<1x16xf32>,
        %get3A_200 = vector.shape_cast %get3A_199 : vector<1x16xf32> to vector<16xf32>
        %mul3A_201 = arith.constant 8.000000e+00 : f32
        %mul3A_202 = vector.broadcast %mul3A_201 : f32 to vector<16xf32>
        %mul3A_203 = arith.mulf %get3A_200, %mul3A_202 : vector<16xf32>
        %swap3A_204 = arith.index_cast %add3A_194 : i32 to index
        %swap3A_205 = arith.constant 0 : index
        %swap3A_206 = tpu.vector_load %arg8[%swap3A_204, %swap3A_205] {strides = array<i32>} : memref<128x128xf32, #tpu.memory_space<vmem>>, vector<1x16xf32>,
        %swap3A_207 = vector.shape_cast %swap3A_206 : vector<1x16xf32> to vector<16xf32>
        %swap3A_208 = vector.shape_cast %mul3A_203 : vector<16xf32> to vector<1x16xf32>
        tpu.vector_store %arg8[%swap3A_204, %swap3A_205], %swap3A_208 {strides = array<i32>} : memref<128x128xf32, #tpu.memory_space<vmem>>, vector<1x16xf32>,
        %mul3A_209 = arith.constant 2 : i32
        %mul3A_210 = arith.muli %mul3A_209, %add3A_194 : i32
        %add3A_211 = arith.constant 1 : i32
        %add3A_212 = arith.addi %mul3A_210, %add3A_211 : i32
        %get3A_213 = arith.index_cast %add3A_212 : i32 to index
        %get3A_214 = arith.constant 0 : index
        %get3A_215 = tpu.vector_load %arg6[%get3A_213, %get3A_214] {strides = array<i32>} : memref<256x64xf32, #tpu.memory_space<vmem>>, vector<1x16xf32>,
        %get3A_216 = vector.shape_cast %get3A_215 : vector<1x16xf32> to vector<16xf32>
        %mul3A_217 = arith.constant 8.000000e+00 : f32
        %mul3A_218 = vector.broadcast %mul3A_217 : f32 to vector<16xf32>
        %mul3A_219 = arith.mulf %get3A_216, %mul3A_218 : vector<16xf32>
        %swap3A_220 = arith.index_cast %add3A_194 : i32 to index
        %swap3A_221 = arith.constant 64 : index
        %swap3A_222 = tpu.vector_load %arg8[%swap3A_220, %swap3A_221] {strides = array<i32>} : memref<128x128xf32, #tpu.memory_space<vmem>>, vector<1x16xf32>,
        %swap3A_223 = vector.shape_cast %swap3A_222 : vector<1x16xf32> to vector<16xf32>
        %swap3A_224 = vector.shape_cast %mul3A_219 : vector<16xf32> to vector<1x16xf32>
        tpu.vector_store %arg8[%swap3A_220, %swap3A_221], %swap3A_224 {strides = array<i32>} : memref<128x128xf32, #tpu.memory_space<vmem>>, vector<1x16xf32>,
        %mul3A_225 = arith.constant 2 : i32
        %mul3A_226 = arith.muli %mul3A_225, %add3A_194 : i32
        %get3A_227 = arith.index_cast %mul3A_226 : i32 to index
        %get3A_228 = arith.constant 16 : index
        %get3A_229 = tpu.vector_load %arg6[%get3A_227, %get3A_228] {strides = array<i32>} : memref<256x64xf32, #tpu.memory_space<vmem>>, vector<1x16xf32>,
        %get3A_230 = vector.shape_cast %get3A_229 : vector<1x16xf32> to vector<16xf32>
        %mul3A_231 = arith.constant 8.000000e+00 : f32
        %mul3A_232 = vector.broadcast %mul3A_231 : f32 to vector<16xf32>
        %mul3A_233 = arith.mulf %get3A_230, %mul3A_232 : vector<16xf32>
        %swap3A_234 = arith.index_cast %add3A_194 : i32 to index
        %swap3A_235 = arith.constant 16 : index
        %swap3A_236 = tpu.vector_load %arg8[%swap3A_234, %swap3A_235] {strides = array<i32>} : memref<128x128xf32, #tpu.memory_space<vmem>>, vector<1x16xf32>,
        %swap3A_237 = vector.shape_cast %swap3A_236 : vector<1x16xf32> to vector<16xf32>
        %swap3A_238 = vector.shape_cast %mul3A_233 : vector<16xf32> to vector<1x16xf32>
        tpu.vector_store %arg8[%swap3A_234, %swap3A_235], %swap3A_238 {strides = array<i32>} : memref<128x128xf32, #tpu.memory_space<vmem>>, vector<1x16xf32>,
        %mul3A_239 = arith.constant 2 : i32
        %mul3A_240 = arith.muli %mul3A_239, %add3A_194 : i32
        %add3A_241 = arith.constant 1 : i32
        %add3A_242 = arith.addi %mul3A_240, %add3A_241 : i32
        %get3A_243 = arith.index_cast %add3A_242 : i32 to index
        %get3A_244 = arith.constant 16 : index
        %get3A_245 = tpu.vector_load %arg6[%get3A_243, %get3A_244] {strides = array<i32>} : memref<256x64xf32, #tpu.memory_space<vmem>>, vector<1x16xf32>,
        %get3A_246 = vector.shape_cast %get3A_245 : vector<1x16xf32> to vector<16xf32>
        %mul3A_247 = arith.constant 8.000000e+00 : f32
        %mul3A_248 = vector.broadcast %mul3A_247 : f32 to vector<16xf32>
        %mul3A_249 = arith.mulf %get3A_246, %mul3A_248 : vector<16xf32>
        %swap3A_250 = arith.index_cast %add3A_194 : i32 to index
        %swap3A_251 = arith.constant 80 : index
        %swap3A_252 = tpu.vector_load %arg8[%swap3A_250, %swap3A_251] {strides = array<i32>} : memref<128x128xf32, #tpu.memory_space<vmem>>, vector<1x16xf32>,
        %swap3A_253 = vector.shape_cast %swap3A_252 : vector<1x16xf32> to vector<16xf32>
        %swap3A_254 = vector.shape_cast %mul3A_249 : vector<16xf32> to vector<1x16xf32>
        tpu.vector_store %arg8[%swap3A_250, %swap3A_251], %swap3A_254 {strides = array<i32>} : memref<128x128xf32, #tpu.memory_space<vmem>>, vector<1x16xf32>,
        %mul3A_255 = arith.constant 2 : i32
        %mul3A_256 = arith.muli %mul3A_255, %add3A_194 : i32
        %get3A_257 = arith.index_cast %mul3A_256 : i32 to index
        %get3A_258 = arith.constant 32 : index
        %get3A_259 = tpu.vector_load %arg6[%get3A_257, %get3A_258] {strides = array<i32>} : memref<256x64xf32, #tpu.memory_space<vmem>>, vector<1x16xf32>,
        %get3A_260 = vector.shape_cast %get3A_259 : vector<1x16xf32> to vector<16xf32>
        %mul3A_261 = arith.constant 8.000000e+00 : f32
        %mul3A_262 = vector.broadcast %mul3A_261 : f32 to vector<16xf32>
        %mul3A_263 = arith.mulf %get3A_260, %mul3A_262 : vector<16xf32>
        %swap3A_264 = arith.index_cast %add3A_194 : i32 to index
        %swap3A_265 = arith.constant 32 : index
        %swap3A_266 = tpu.vector_load %arg8[%swap3A_264, %swap3A_265] {strides = array<i32>} : memref<128x128xf32, #tpu.memory_space<vmem>>, vector<1x16xf32>,
        %swap3A_267 = vector.shape_cast %swap3A_266 : vector<1x16xf32> to vector<16xf32>
        %swap3A_268 = vector.shape_cast %mul3A_263 : vector<16xf32> to vector<1x16xf32>
        tpu.vector_store %arg8[%swap3A_264, %swap3A_265], %swap3A_268 {strides = array<i32>} : memref<128x128xf32, #tpu.memory_space<vmem>>, vector<1x16xf32>,
        %mul3A_269 = arith.constant 2 : i32
        %mul3A_270 = arith.muli %mul3A_269, %add3A_194 : i32
        %add3A_271 = arith.constant 1 : i32
        %add3A_272 = arith.addi %mul3A_270, %add3A_271 : i32
        %get3A_273 = arith.index_cast %add3A_272 : i32 to index
        %get3A_274 = arith.constant 32 : index
        %get3A_275 = tpu.vector_load %arg6[%get3A_273, %get3A_274] {strides = array<i32>} : memref<256x64xf32, #tpu.memory_space<vmem>>, vector<1x16xf32>,
        %get3A_276 = vector.shape_cast %get3A_275 : vector<1x16xf32> to vector<16xf32>
        %mul3A_277 = arith.constant 8.000000e+00 : f32
        %mul3A_278 = vector.broadcast %mul3A_277 : f32 to vector<16xf32>
        %mul3A_279 = arith.mulf %get3A_276, %mul3A_278 : vector<16xf32>
        %swap3A_280 = arith.index_cast %add3A_194 : i32 to index
        %swap3A_281 = arith.constant 96 : index
        %swap3A_282 = tpu.vector_load %arg8[%swap3A_280, %swap3A_281] {strides = array<i32>} : memref<128x128xf32, #tpu.memory_space<vmem>>, vector<1x16xf32>,
        %swap3A_283 = vector.shape_cast %swap3A_282 : vector<1x16xf32> to vector<16xf32>
        %swap3A_284 = vector.shape_cast %mul3A_279 : vector<16xf32> to vector<1x16xf32>
        tpu.vector_store %arg8[%swap3A_280, %swap3A_281], %swap3A_284 {strides = array<i32>} : memref<128x128xf32, #tpu.memory_space<vmem>>, vector<1x16xf32>,
        %mul3A_285 = arith.constant 2 : i32
        %mul3A_286 = arith.muli %mul3A_285, %add3A_194 : i32
        %get3A_287 = arith.index_cast %mul3A_286 : i32 to index
        %get3A_288 = arith.constant 48 : index
        %get3A_289 = tpu.vector_load %arg6[%get3A_287, %get3A_288] {strides = array<i32>} : memref<256x64xf32, #tpu.memory_space<vmem>>, vector<1x16xf32>,
        %get3A_290 = vector.shape_cast %get3A_289 : vector<1x16xf32> to vector<16xf32>
        %mul3A_291 = arith.constant 8.000000e+00 : f32
        %mul3A_292 = vector.broadcast %mul3A_291 : f32 to vector<16xf32>
        %mul3A_293 = arith.mulf %get3A_290, %mul3A_292 : vector<16xf32>
        %swap3A_294 = arith.index_cast %add3A_194 : i32 to index
        %swap3A_295 = arith.constant 48 : index
        %swap3A_296 = tpu.vector_load %arg8[%swap3A_294, %swap3A_295] {strides = array<i32>} : memref<128x128xf32, #tpu.memory_space<vmem>>, vector<1x16xf32>,
        %swap3A_297 = vector.shape_cast %swap3A_296 : vector<1x16xf32> to vector<16xf32>
        %swap3A_298 = vector.shape_cast %mul3A_293 : vector<16xf32> to vector<1x16xf32>
        tpu.vector_store %arg8[%swap3A_294, %swap3A_295], %swap3A_298 {strides = array<i32>} : memref<128x128xf32, #tpu.memory_space<vmem>>, vector<1x16xf32>,
        %mul3A_299 = arith.constant 2 : i32
        %mul3A_300 = arith.muli %mul3A_299, %add3A_194 : i32
        %add3A_301 = arith.constant 1 : i32
        %add3A_302 = arith.addi %mul3A_300, %add3A_301 : i32
        %get3A_303 = arith.index_cast %add3A_302 : i32 to index
        %get3A_304 = arith.constant 48 : index
        %get3A_305 = tpu.vector_load %arg6[%get3A_303, %get3A_304] {strides = array<i32>} : memref<256x64xf32, #tpu.memory_space<vmem>>, vector<1x16xf32>,
        %get3A_306 = vector.shape_cast %get3A_305 : vector<1x16xf32> to vector<16xf32>
        %mul3A_307 = arith.constant 8.000000e+00 : f32
        %mul3A_308 = vector.broadcast %mul3A_307 : f32 to vector<16xf32>
        %mul3A_309 = arith.mulf %get3A_306, %mul3A_308 : vector<16xf32>
        %swap3A_310 = arith.index_cast %add3A_194 : i32 to index
        %swap3A_311 = arith.constant 112 : index
        %swap3A_312 = tpu.vector_load %arg8[%swap3A_310, %swap3A_311] {strides = array<i32>} : memref<128x128xf32, #tpu.memory_space<vmem>>, vector<1x16xf32>,
        %swap3A_313 = vector.shape_cast %swap3A_312 : vector<1x16xf32> to vector<16xf32>
        %swap3A_314 = vector.shape_cast %mul3A_309 : vector<16xf32> to vector<1x16xf32>
        tpu.vector_store %arg8[%swap3A_310, %swap3A_311], %swap3A_314 {strides = array<i32>} : memref<128x128xf32, #tpu.memory_space<vmem>>, vector<1x16xf32>,
        %mul3A_315 = arith.constant 4 : i32
        %mul3A_316 = arith.muli %scan3A_68, %mul3A_315 : i32
        %add3A_317 = arith.constant 2 : i32
        %add3A_318 = arith.addi %mul3A_316, %add3A_317 : i32
        %mul3A_319 = arith.constant 2 : i32
        %mul3A_320 = arith.muli %mul3A_319, %add3A_318 : i32
        %get3A_321 = arith.index_cast %mul3A_320 : i32 to index
        %get3A_322 = arith.constant 0 : index
        %get3A_323 = tpu.vector_load %arg6[%get3A_321, %get3A_322] {strides = array<i32>} : memref<256x64xf32, #tpu.memory_space<vmem>>, vector<1x16xf32>,
        %get3A_324 = vector.shape_cast %get3A_323 : vector<1x16xf32> to vector<16xf32>
        %mul3A_325 = arith.constant 8.000000e+00 : f32
        %mul3A_326 = vector.broadcast %mul3A_325 : f32 to vector<16xf32>
        %mul3A_327 = arith.mulf %get3A_324, %mul3A_326 : vector<16xf32>
        %swap3A_328 = arith.index_cast %add3A_318 : i32 to index
        %swap3A_329 = arith.constant 0 : index
        %swap3A_330 = tpu.vector_load %arg8[%swap3A_328, %swap3A_329] {strides = array<i32>} : memref<128x128xf32, #tpu.memory_space<vmem>>, vector<1x16xf32>,
        %swap3A_331 = vector.shape_cast %swap3A_330 : vector<1x16xf32> to vector<16xf32>
        %swap3A_332 = vector.shape_cast %mul3A_327 : vector<16xf32> to vector<1x16xf32>
        tpu.vector_store %arg8[%swap3A_328, %swap3A_329], %swap3A_332 {strides = array<i32>} : memref<128x128xf32, #tpu.memory_space<vmem>>, vector<1x16xf32>,
        %mul3A_333 = arith.constant 2 : i32
        %mul3A_334 = arith.muli %mul3A_333, %add3A_318 : i32
        %add3A_335 = arith.constant 1 : i32
        %add3A_336 = arith.addi %mul3A_334, %add3A_335 : i32
        %get3A_337 = arith.index_cast %add3A_336 : i32 to index
        %get3A_338 = arith.constant 0 : index
        %get3A_339 = tpu.vector_load %arg6[%get3A_337, %get3A_338] {strides = array<i32>} : memref<256x64xf32, #tpu.memory_space<vmem>>, vector<1x16xf32>,
        %get3A_340 = vector.shape_cast %get3A_339 : vector<1x16xf32> to vector<16xf32>
        %mul3A_341 = arith.constant 8.000000e+00 : f32
        %mul3A_342 = vector.broadcast %mul3A_341 : f32 to vector<16xf32>
        %mul3A_343 = arith.mulf %get3A_340, %mul3A_342 : vector<16xf32>
        %swap3A_344 = arith.index_cast %add3A_318 : i32 to index
        %swap3A_345 = arith.constant 64 : index
        %swap3A_346 = tpu.vector_load %arg8[%swap3A_344, %swap3A_345] {strides = array<i32>} : memref<128x128xf32, #tpu.memory_space<vmem>>, vector<1x16xf32>,
        %swap3A_347 = vector.shape_cast %swap3A_346 : vector<1x16xf32> to vector<16xf32>
        %swap3A_348 = vector.shape_cast %mul3A_343 : vector<16xf32> to vector<1x16xf32>
        tpu.vector_store %arg8[%swap3A_344, %swap3A_345], %swap3A_348 {strides = array<i32>} : memref<128x128xf32, #tpu.memory_space<vmem>>, vector<1x16xf32>,
        %mul3A_349 = arith.constant 2 : i32
        %mul3A_350 = arith.muli %mul3A_349, %add3A_318 : i32
        %get3A_351 = arith.index_cast %mul3A_350 : i32 to index
        %get3A_352 = arith.constant 16 : index
        %get3A_353 = tpu.vector_load %arg6[%get3A_351, %get3A_352] {strides = array<i32>} : memref<256x64xf32, #tpu.memory_space<vmem>>, vector<1x16xf32>,
        %get3A_354 = vector.shape_cast %get3A_353 : vector<1x16xf32> to vector<16xf32>
        %mul3A_355 = arith.constant 8.000000e+00 : f32
        %mul3A_356 = vector.broadcast %mul3A_355 : f32 to vector<16xf32>
        %mul3A_357 = arith.mulf %get3A_354, %mul3A_356 : vector<16xf32>
        %swap3A_358 = arith.index_cast %add3A_318 : i32 to index
        %swap3A_359 = arith.constant 16 : index
        %swap3A_360 = tpu.vector_load %arg8[%swap3A_358, %swap3A_359] {strides = array<i32>} : memref<128x128xf32, #tpu.memory_space<vmem>>, vector<1x16xf32>,
        %swap3A_361 = vector.shape_cast %swap3A_360 : vector<1x16xf32> to vector<16xf32>
        %swap3A_362 = vector.shape_cast %mul3A_357 : vector<16xf32> to vector<1x16xf32>
        tpu.vector_store %arg8[%swap3A_358, %swap3A_359], %swap3A_362 {strides = array<i32>} : memref<128x128xf32, #tpu.memory_space<vmem>>, vector<1x16xf32>,
        %mul3A_363 = arith.constant 2 : i32
        %mul3A_364 = arith.muli %mul3A_363, %add3A_318 : i32
        %add3A_365 = arith.constant 1 : i32
        %add3A_366 = arith.addi %mul3A_364, %add3A_365 : i32
        %get3A_367 = arith.index_cast %add3A_366 : i32 to index
        %get3A_368 = arith.constant 16 : index
        %get3A_369 = tpu.vector_load %arg6[%get3A_367, %get3A_368] {strides = array<i32>} : memref<256x64xf32, #tpu.memory_space<vmem>>, vector<1x16xf32>,
        %get3A_370 = vector.shape_cast %get3A_369 : vector<1x16xf32> to vector<16xf32>
        %mul3A_371 = arith.constant 8.000000e+00 : f32
        %mul3A_372 = vector.broadcast %mul3A_371 : f32 to vector<16xf32>
        %mul3A_373 = arith.mulf %get3A_370, %mul3A_372 : vector<16xf32>
        %swap3A_374 = arith.index_cast %add3A_318 : i32 to index
        %swap3A_375 = arith.constant 80 : index
        %swap3A_376 = tpu.vector_load %arg8[%swap3A_374, %swap3A_375] {strides = array<i32>} : memref<128x128xf32, #tpu.memory_space<vmem>>, vector<1x16xf32>,
        %swap3A_377 = vector.shape_cast %swap3A_376 : vector<1x16xf32> to vector<16xf32>
        %swap3A_378 = vector.shape_cast %mul3A_373 : vector<16xf32> to vector<1x16xf32>
        tpu.vector_store %arg8[%swap3A_374, %swap3A_375], %swap3A_378 {strides = array<i32>} : memref<128x128xf32, #tpu.memory_space<vmem>>, vector<1x16xf32>,
        %mul3A_379 = arith.constant 2 : i32
        %mul3A_380 = arith.muli %mul3A_379, %add3A_318 : i32
        %get3A_381 = arith.index_cast %mul3A_380 : i32 to index
        %get3A_382 = arith.constant 32 : index
        %get3A_383 = tpu.vector_load %arg6[%get3A_381, %get3A_382] {strides = array<i32>} : memref<256x64xf32, #tpu.memory_space<vmem>>, vector<1x16xf32>,
        %get3A_384 = vector.shape_cast %get3A_383 : vector<1x16xf32> to vector<16xf32>
        %mul3A_385 = arith.constant 8.000000e+00 : f32
        %mul3A_386 = vector.broadcast %mul3A_385 : f32 to vector<16xf32>
        %mul3A_387 = arith.mulf %get3A_384, %mul3A_386 : vector<16xf32>
        %swap3A_388 = arith.index_cast %add3A_318 : i32 to index
        %swap3A_389 = arith.constant 32 : index
        %swap3A_390 = tpu.vector_load %arg8[%swap3A_388, %swap3A_389] {strides = array<i32>} : memref<128x128xf32, #tpu.memory_space<vmem>>, vector<1x16xf32>,
        %swap3A_391 = vector.shape_cast %swap3A_390 : vector<1x16xf32> to vector<16xf32>
        %swap3A_392 = vector.shape_cast %mul3A_387 : vector<16xf32> to vector<1x16xf32>
        tpu.vector_store %arg8[%swap3A_388, %swap3A_389], %swap3A_392 {strides = array<i32>} : memref<128x128xf32, #tpu.memory_space<vmem>>, vector<1x16xf32>,
        %mul3A_393 = arith.constant 2 : i32
        %mul3A_394 = arith.muli %mul3A_393, %add3A_318 : i32
        %add3A_395 = arith.constant 1 : i32
        %add3A_396 = arith.addi %mul3A_394, %add3A_395 : i32
        %get3A_397 = arith.index_cast %add3A_396 : i32 to index
        %get3A_398 = arith.constant 32 : index
        %get3A_399 = tpu.vector_load %arg6[%get3A_397, %get3A_398] {strides = array<i32>} : memref<256x64xf32, #tpu.memory_space<vmem>>, vector<1x16xf32>,
        %get3A_400 = vector.shape_cast %get3A_399 : vector<1x16xf32> to vector<16xf32>
        %mul3A_401 = arith.constant 8.000000e+00 : f32
        %mul3A_402 = vector.broadcast %mul3A_401 : f32 to vector<16xf32>
        %mul3A_403 = arith.mulf %get3A_400, %mul3A_402 : vector<16xf32>
        %swap3A_404 = arith.index_cast %add3A_318 : i32 to index
        %swap3A_405 = arith.constant 96 : index
        %swap3A_406 = tpu.vector_load %arg8[%swap3A_404, %swap3A_405] {strides = array<i32>} : memref<128x128xf32, #tpu.memory_space<vmem>>, vector<1x16xf32>,
        %swap3A_407 = vector.shape_cast %swap3A_406 : vector<1x16xf32> to vector<16xf32>
        %swap3A_408 = vector.shape_cast %mul3A_403 : vector<16xf32> to vector<1x16xf32>
        tpu.vector_store %arg8[%swap3A_404, %swap3A_405], %swap3A_408 {strides = array<i32>} : memref<128x128xf32, #tpu.memory_space<vmem>>, vector<1x16xf32>,
        %mul3A_409 = arith.constant 2 : i32
        %mul3A_410 = arith.muli %mul3A_409, %add3A_318 : i32
        %get3A_411 = arith.index_cast %mul3A_410 : i32 to index
        %get3A_412 = arith.constant 48 : index
        %get3A_413 = tpu.vector_load %arg6[%get3A_411, %get3A_412] {strides = array<i32>} : memref<256x64xf32, #tpu.memory_space<vmem>>, vector<1x16xf32>,
        %get3A_414 = vector.shape_cast %get3A_413 : vector<1x16xf32> to vector<16xf32>
        %mul3A_415 = arith.constant 8.000000e+00 : f32
        %mul3A_416 = vector.broadcast %mul3A_415 : f32 to vector<16xf32>
        %mul3A_417 = arith.mulf %get3A_414, %mul3A_416 : vector<16xf32>
        %swap3A_418 = arith.index_cast %add3A_318 : i32 to index
        %swap3A_419 = arith.constant 48 : index
        %swap3A_420 = tpu.vector_load %arg8[%swap3A_418, %swap3A_419] {strides = array<i32>} : memref<128x128xf32, #tpu.memory_space<vmem>>, vector<1x16xf32>,
        %swap3A_421 = vector.shape_cast %swap3A_420 : vector<1x16xf32> to vector<16xf32>
        %swap3A_422 = vector.shape_cast %mul3A_417 : vector<16xf32> to vector<1x16xf32>
        tpu.vector_store %arg8[%swap3A_418, %swap3A_419], %swap3A_422 {strides = array<i32>} : memref<128x128xf32, #tpu.memory_space<vmem>>, vector<1x16xf32>,
        %mul3A_423 = arith.constant 2 : i32
        %mul3A_424 = arith.muli %mul3A_423, %add3A_318 : i32
        %add3A_425 = arith.constant 1 : i32
        %add3A_426 = arith.addi %mul3A_424, %add3A_425 : i32
        %get3A_427 = arith.index_cast %add3A_426 : i32 to index
        %get3A_428 = arith.constant 48 : index
        %get3A_429 = tpu.vector_load %arg6[%get3A_427, %get3A_428] {strides = array<i32>} : memref<256x64xf32, #tpu.memory_space<vmem>>, vector<1x16xf32>,
        %get3A_430 = vector.shape_cast %get3A_429 : vector<1x16xf32> to vector<16xf32>
        %mul3A_431 = arith.constant 8.000000e+00 : f32
        %mul3A_432 = vector.broadcast %mul3A_431 : f32 to vector<16xf32>
        %mul3A_433 = arith.mulf %get3A_430, %mul3A_432 : vector<16xf32>
        %swap3A_434 = arith.index_cast %add3A_318 : i32 to index
        %swap3A_435 = arith.constant 112 : index
        %swap3A_436 = tpu.vector_load %arg8[%swap3A_434, %swap3A_435] {strides = array<i32>} : memref<128x128xf32, #tpu.memory_space<vmem>>, vector<1x16xf32>,
        %swap3A_437 = vector.shape_cast %swap3A_436 : vector<1x16xf32> to vector<16xf32>
        %swap3A_438 = vector.shape_cast %mul3A_433 : vector<16xf32> to vector<1x16xf32>
        tpu.vector_store %arg8[%swap3A_434, %swap3A_435], %swap3A_438 {strides = array<i32>} : memref<128x128xf32, #tpu.memory_space<vmem>>, vector<1x16xf32>,
        %mul3A_439 = arith.constant 4 : i32
        %mul3A_440 = arith.muli %scan3A_68, %mul3A_439 : i32
        %add3A_441 = arith.constant 3 : i32
        %add3A_442 = arith.addi %mul3A_440, %add3A_441 : i32
        %mul3A_443 = arith.constant 2 : i32
        %mul3A_444 = arith.muli %mul3A_443, %add3A_442 : i32
        %get3A_445 = arith.index_cast %mul3A_444 : i32 to index
        %get3A_446 = arith.constant 0 : index
        %get3A_447 = tpu.vector_load %arg6[%get3A_445, %get3A_446] {strides = array<i32>} : memref<256x64xf32, #tpu.memory_space<vmem>>, vector<1x16xf32>,
        %get3A_448 = vector.shape_cast %get3A_447 : vector<1x16xf32> to vector<16xf32>
        %mul3A_449 = arith.constant 8.000000e+00 : f32
        %mul3A_450 = vector.broadcast %mul3A_449 : f32 to vector<16xf32>
        %mul3A_451 = arith.mulf %get3A_448, %mul3A_450 : vector<16xf32>
        %swap3A_452 = arith.index_cast %add3A_442 : i32 to index
        %swap3A_453 = arith.constant 0 : index
        %swap3A_454 = tpu.vector_load %arg8[%swap3A_452, %swap3A_453] {strides = array<i32>} : memref<128x128xf32, #tpu.memory_space<vmem>>, vector<1x16xf32>,
        %swap3A_455 = vector.shape_cast %swap3A_454 : vector<1x16xf32> to vector<16xf32>
        %swap3A_456 = vector.shape_cast %mul3A_451 : vector<16xf32> to vector<1x16xf32>
        tpu.vector_store %arg8[%swap3A_452, %swap3A_453], %swap3A_456 {strides = array<i32>} : memref<128x128xf32, #tpu.memory_space<vmem>>, vector<1x16xf32>,
        %mul3A_457 = arith.constant 2 : i32
        %mul3A_458 = arith.muli %mul3A_457, %add3A_442 : i32
        %add3A_459 = arith.constant 1 : i32
        %add3A_460 = arith.addi %mul3A_458, %add3A_459 : i32
        %get3A_461 = arith.index_cast %add3A_460 : i32 to index
        %get3A_462 = arith.constant 0 : index
        %get3A_463 = tpu.vector_load %arg6[%get3A_461, %get3A_462] {strides = array<i32>} : memref<256x64xf32, #tpu.memory_space<vmem>>, vector<1x16xf32>,
        %get3A_464 = vector.shape_cast %get3A_463 : vector<1x16xf32> to vector<16xf32>
        %mul3A_465 = arith.constant 8.000000e+00 : f32
        %mul3A_466 = vector.broadcast %mul3A_465 : f32 to vector<16xf32>
        %mul3A_467 = arith.mulf %get3A_464, %mul3A_466 : vector<16xf32>
        %swap3A_468 = arith.index_cast %add3A_442 : i32 to index
        %swap3A_469 = arith.constant 64 : index
        %swap3A_470 = tpu.vector_load %arg8[%swap3A_468, %swap3A_469] {strides = array<i32>} : memref<128x128xf32, #tpu.memory_space<vmem>>, vector<1x16xf32>,
        %swap3A_471 = vector.shape_cast %swap3A_470 : vector<1x16xf32> to vector<16xf32>
        %swap3A_472 = vector.shape_cast %mul3A_467 : vector<16xf32> to vector<1x16xf32>
        tpu.vector_store %arg8[%swap3A_468, %swap3A_469], %swap3A_472 {strides = array<i32>} : memref<128x128xf32, #tpu.memory_space<vmem>>, vector<1x16xf32>,
        %mul3A_473 = arith.constant 2 : i32
        %mul3A_474 = arith.muli %mul3A_473, %add3A_442 : i32
        %get3A_475 = arith.index_cast %mul3A_474 : i32 to index
        %get3A_476 = arith.constant 16 : index
        %get3A_477 = tpu.vector_load %arg6[%get3A_475, %get3A_476] {strides = array<i32>} : memref<256x64xf32, #tpu.memory_space<vmem>>, vector<1x16xf32>,
        %get3A_478 = vector.shape_cast %get3A_477 : vector<1x16xf32> to vector<16xf32>
        %mul3A_479 = arith.constant 8.000000e+00 : f32
        %mul3A_480 = vector.broadcast %mul3A_479 : f32 to vector<16xf32>
        %mul3A_481 = arith.mulf %get3A_478, %mul3A_480 : vector<16xf32>
        %swap3A_482 = arith.index_cast %add3A_442 : i32 to index
        %swap3A_483 = arith.constant 16 : index
        %swap3A_484 = tpu.vector_load %arg8[%swap3A_482, %swap3A_483] {strides = array<i32>} : memref<128x128xf32, #tpu.memory_space<vmem>>, vector<1x16xf32>,
        %swap3A_485 = vector.shape_cast %swap3A_484 : vector<1x16xf32> to vector<16xf32>
        %swap3A_486 = vector.shape_cast %mul3A_481 : vector<16xf32> to vector<1x16xf32>
        tpu.vector_store %arg8[%swap3A_482, %swap3A_483], %swap3A_486 {strides = array<i32>} : memref<128x128xf32, #tpu.memory_space<vmem>>, vector<1x16xf32>,
        %mul3A_487 = arith.constant 2 : i32
        %mul3A_488 = arith.muli %mul3A_487, %add3A_442 : i32
        %add3A_489 = arith.constant 1 : i32
        %add3A_490 = arith.addi %mul3A_488, %add3A_489 : i32
        %get3A_491 = arith.index_cast %add3A_490 : i32 to index
        %get3A_492 = arith.constant 16 : index
        %get3A_493 = tpu.vector_load %arg6[%get3A_491, %get3A_492] {strides = array<i32>} : memref<256x64xf32, #tpu.memory_space<vmem>>, vector<1x16xf32>,
        %get3A_494 = vector.shape_cast %get3A_493 : vector<1x16xf32> to vector<16xf32>
        %mul3A_495 = arith.constant 8.000000e+00 : f32
        %mul3A_496 = vector.broadcast %mul3A_495 : f32 to vector<16xf32>
        %mul3A_497 = arith.mulf %get3A_494, %mul3A_496 : vector<16xf32>
        %swap3A_498 = arith.index_cast %add3A_442 : i32 to index
        %swap3A_499 = arith.constant 80 : index
        %swap3A_500 = tpu.vector_load %arg8[%swap3A_498, %swap3A_499] {strides = array<i32>} : memref<128x128xf32, #tpu.memory_space<vmem>>, vector<1x16xf32>,
        %swap3A_501 = vector.shape_cast %swap3A_500 : vector<1x16xf32> to vector<16xf32>
        %swap3A_502 = vector.shape_cast %mul3A_497 : vector<16xf32> to vector<1x16xf32>
        tpu.vector_store %arg8[%swap3A_498, %swap3A_499], %swap3A_502 {strides = array<i32>} : memref<128x128xf32, #tpu.memory_space<vmem>>, vector<1x16xf32>,
        %mul3A_503 = arith.constant 2 : i32
        %mul3A_504 = arith.muli %mul3A_503, %add3A_442 : i32
        %get3A_505 = arith.index_cast %mul3A_504 : i32 to index
        %get3A_506 = arith.constant 32 : index
        %get3A_507 = tpu.vector_load %arg6[%get3A_505, %get3A_506] {strides = array<i32>} : memref<256x64xf32, #tpu.memory_space<vmem>>, vector<1x16xf32>,
        %get3A_508 = vector.shape_cast %get3A_507 : vector<1x16xf32> to vector<16xf32>
        %mul3A_509 = arith.constant 8.000000e+00 : f32
        %mul3A_510 = vector.broadcast %mul3A_509 : f32 to vector<16xf32>
        %mul3A_511 = arith.mulf %get3A_508, %mul3A_510 : vector<16xf32>
        %swap3A_512 = arith.index_cast %add3A_442 : i32 to index
        %swap3A_513 = arith.constant 32 : index
        %swap3A_514 = tpu.vector_load %arg8[%swap3A_512, %swap3A_513] {strides = array<i32>} : memref<128x128xf32, #tpu.memory_space<vmem>>, vector<1x16xf32>,
        %swap3A_515 = vector.shape_cast %swap3A_514 : vector<1x16xf32> to vector<16xf32>
        %swap3A_516 = vector.shape_cast %mul3A_511 : vector<16xf32> to vector<1x16xf32>
        tpu.vector_store %arg8[%swap3A_512, %swap3A_513], %swap3A_516 {strides = array<i32>} : memref<128x128xf32, #tpu.memory_space<vmem>>, vector<1x16xf32>,
        %mul3A_517 = arith.constant 2 : i32
        %mul3A_518 = arith.muli %mul3A_517, %add3A_442 : i32
        %add3A_519 = arith.constant 1 : i32
        %add3A_520 = arith.addi %mul3A_518, %add3A_519 : i32
        %get3A_521 = arith.index_cast %add3A_520 : i32 to index
        %get3A_522 = arith.constant 32 : index
        %get3A_523 = tpu.vector_load %arg6[%get3A_521, %get3A_522] {strides = array<i32>} : memref<256x64xf32, #tpu.memory_space<vmem>>, vector<1x16xf32>,
        %get3A_524 = vector.shape_cast %get3A_523 : vector<1x16xf32> to vector<16xf32>
        %mul3A_525 = arith.constant 8.000000e+00 : f32
        %mul3A_526 = vector.broadcast %mul3A_525 : f32 to vector<16xf32>
        %mul3A_527 = arith.mulf %get3A_524, %mul3A_526 : vector<16xf32>
        %swap3A_528 = arith.index_cast %add3A_442 : i32 to index
        %swap3A_529 = arith.constant 96 : index
        %swap3A_530 = tpu.vector_load %arg8[%swap3A_528, %swap3A_529] {strides = array<i32>} : memref<128x128xf32, #tpu.memory_space<vmem>>, vector<1x16xf32>,
        %swap3A_531 = vector.shape_cast %swap3A_530 : vector<1x16xf32> to vector<16xf32>
        %swap3A_532 = vector.shape_cast %mul3A_527 : vector<16xf32> to vector<1x16xf32>
        tpu.vector_store %arg8[%swap3A_528, %swap3A_529], %swap3A_532 {strides = array<i32>} : memref<128x128xf32, #tpu.memory_space<vmem>>, vector<1x16xf32>,
        %mul3A_533 = arith.constant 2 : i32
        %mul3A_534 = arith.muli %mul3A_533, %add3A_442 : i32
        %get3A_535 = arith.index_cast %mul3A_534 : i32 to index
        %get3A_536 = arith.constant 48 : index
        %get3A_537 = tpu.vector_load %arg6[%get3A_535, %get3A_536] {strides = array<i32>} : memref<256x64xf32, #tpu.memory_space<vmem>>, vector<1x16xf32>,
        %get3A_538 = vector.shape_cast %get3A_537 : vector<1x16xf32> to vector<16xf32>
        %mul3A_539 = arith.constant 8.000000e+00 : f32
        %mul3A_540 = vector.broadcast %mul3A_539 : f32 to vector<16xf32>
        %mul3A_541 = arith.mulf %get3A_538, %mul3A_540 : vector<16xf32>
        %swap3A_542 = arith.index_cast %add3A_442 : i32 to index
        %swap3A_543 = arith.constant 48 : index
        %swap3A_544 = tpu.vector_load %arg8[%swap3A_542, %swap3A_543] {strides = array<i32>} : memref<128x128xf32, #tpu.memory_space<vmem>>, vector<1x16xf32>,
        %swap3A_545 = vector.shape_cast %swap3A_544 : vector<1x16xf32> to vector<16xf32>
        %swap3A_546 = vector.shape_cast %mul3A_541 : vector<16xf32> to vector<1x16xf32>
        tpu.vector_store %arg8[%swap3A_542, %swap3A_543], %swap3A_546 {strides = array<i32>} : memref<128x128xf32, #tpu.memory_space<vmem>>, vector<1x16xf32>,
        %mul3A_547 = arith.constant 2 : i32
        %mul3A_548 = arith.muli %mul3A_547, %add3A_442 : i32
        %add3A_549 = arith.constant 1 : i32
        %add3A_550 = arith.addi %mul3A_548, %add3A_549 : i32
        %get3A_551 = arith.index_cast %add3A_550 : i32 to index
        %get3A_552 = arith.constant 48 : index
        %get3A_553 = tpu.vector_load %arg6[%get3A_551, %get3A_552] {strides = array<i32>} : memref<256x64xf32, #tpu.memory_space<vmem>>, vector<1x16xf32>,
        %get3A_554 = vector.shape_cast %get3A_553 : vector<1x16xf32> to vector<16xf32>
        %mul3A_555 = arith.constant 8.000000e+00 : f32
        %mul3A_556 = vector.broadcast %mul3A_555 : f32 to vector<16xf32>
        %mul3A_557 = arith.mulf %get3A_554, %mul3A_556 : vector<16xf32>
        %swap3A_558 = arith.index_cast %add3A_442 : i32 to index
        %swap3A_559 = arith.constant 112 : index
        %swap3A_560 = tpu.vector_load %arg8[%swap3A_558, %swap3A_559] {strides = array<i32>} : memref<128x128xf32, #tpu.memory_space<vmem>>, vector<1x16xf32>,
        %swap3A_561 = vector.shape_cast %swap3A_560 : vector<1x16xf32> to vector<16xf32>
        %swap3A_562 = vector.shape_cast %mul3A_557 : vector<16xf32> to vector<1x16xf32>
        tpu.vector_store %arg8[%swap3A_558, %swap3A_559], %swap3A_562 {strides = array<i32>} : memref<128x128xf32, #tpu.memory_space<vmem>>, vector<1x16xf32>,
      }
      %scan3A_35 = arith.constant 32 : i32
      %mul3A_36 = arith.constant 128 : i32
      %mul3A_37 = arith.muli %add3A_19, %mul3A_36 : i32
      %add3A_38 = arith.addi %multiple_of3A_5, %mul3A_37 : i32
      %multiple_of3A_39 = tpu.assume_multiple %add3A_38, 8 : i32
      "tpu.region"() ({
        %run_scoped3A = tpu.sem_alloc : memref<!tpu.dma_semaphore, #tpu.memory_space<semaphore_mem>>
        %dma_start3A_68 = arith.constant 0 : i32
        %dma_start3A_69 = tpu.memref_slice %arg4[%multiple_of3A_39, %dma_start3A_68] : memref<409600x128xf32, #tpu.memory_space<hbm>> -> memref<128x128xf32, #tpu.memory_space<hbm>>
        %dma_start3A_70 = arith.constant 0 : i32
        %dma_start3A_71 = tpu.memref_slice %arg4[%multiple_of3A_39, %dma_start3A_70] : memref<409600x128xf32, #tpu.memory_space<hbm>> -> memref<128x128xf32, #tpu.memory_space<hbm>>
        tpu.enqueue_dma source(%arg8 : memref<128x128xf32, #tpu.memory_space<vmem>>) target(%dma_start3A_71 : memref<128x128xf32, #tpu.memory_space<hbm>>) target_semaphore(%run_scoped3A : memref<!tpu.dma_semaphore, #tpu.memory_space<semaphore_mem>>)
        %dma_wait3A_72 = arith.constant 0 : i32
        %dma_wait3A_73 = tpu.memref_slice %arg4[%multiple_of3A_39, %dma_wait3A_72] : memref<409600x128xf32, #tpu.memory_space<hbm>> -> memref<128x128xf32, #tpu.memory_space<hbm>>
        %dma_wait3A_74 = arith.constant 0 : i32
        %dma_wait3A_75 = tpu.memref_slice %arg4[%multiple_of3A_39, %dma_wait3A_74] : memref<409600x128xf32, #tpu.memory_space<hbm>> -> memref<128x128xf32, #tpu.memory_space<hbm>>
        tpu.wait_dma2 semaphore(%run_scoped3A : memref<!tpu.dma_semaphore, #tpu.memory_space<semaphore_mem>>) src(%arg8 : memref<128x128xf32, #tpu.memory_space<vmem>>) dst(%dma_wait3A_75 : memref<128x128xf32, #tpu.memory_space<hbm>>)
        tpu.yield
      }) : () -> ()
      %mul3A_40 = arith.constant 2 : i32
      %mul3A_41 = arith.muli %mul3A_40, %scan3A_15 : i32
      %add3A_42 = arith.constant 1 : i32
      %add3A_43 = arith.addi %mul3A_41, %add3A_42 : i32
      %add3A_44 = arith.constant 1 : i32
      %add3A_45 = arith.addi %add3A_43, %add3A_44 : i32
      %lt3A_46 = arith.constant 100 : i32
      %lt3A_47 = arith.cmpi slt, %add3A_45, %lt3A_46 : i32
      %convert_element_type3A_48 = arith.extui %lt3A_47 : i1 to i32
      %cond3A_49 = arith.constant 0 : i32
      %cond3A_50 = arith.cmpi ne, %convert_element_type3A_48, %cond3A_49 : i32
      scf.if %cond3A_50 {
        %add3A_68 = arith.constant 1 : i32
        %add3A_69 = arith.addi %add3A_43, %add3A_68 : i32
        %mul3A_70 = arith.constant 256 : i32
        %mul3A_71 = arith.muli %add3A_69, %mul3A_70 : i32
        %multiple_of3A_72 = tpu.assume_multiple %mul3A_71, 8 : i32
        %dma_start3A_73 = tpu.memref_slice %arg5[%multiple_of3A_72] : memref<25600xi32, #tpu.memory_space<vmem>> -> memref<256xi32, #tpu.memory_space<vmem>>
        %dma_start3A_74 = arith.constant 0 : i32
        %dma_start3A_75 = arith.constant 0 : i32
        %dma_start3A_76 = tpu.memref_slice %arg3[%dma_start3A_74, %dma_start3A_75] : memref<1000000x64xf32, #tpu.memory_space<hbm>> -> memref<1000000x64xf32, #tpu.memory_space<hbm>>
        tpu.enqueue_indirect_dma source(%dma_start3A_76 : memref<1000000x64xf32, #tpu.memory_space<hbm>>) target(%arg6 : memref<256x64xf32, #tpu.memory_space<vmem>>) offsets(%dma_start3A_73 : memref<256xi32, #tpu.memory_space<vmem>>) semaphore(%arg10 : memref<!tpu.dma_semaphore, #tpu.memory_space<semaphore_mem>>)
      } else {
      }
      %mul3A_51 = arith.constant 256 : i32
      %mul3A_52 = arith.muli %add3A_43, %mul3A_51 : i32
      %multiple_of3A_53 = tpu.assume_multiple %mul3A_52, 8 : i32
      %dma_wait3A_54 = tpu.memref_slice %arg5[%multiple_of3A_53] : memref<25600xi32, #tpu.memory_space<vmem>> -> memref<256xi32, #tpu.memory_space<vmem>>
      %dma_wait3A_55 = arith.constant 0 : i32
      %dma_wait3A_56 = arith.constant 0 : i32
      %dma_wait3A_57 = tpu.memref_slice %arg3[%dma_wait3A_55, %dma_wait3A_56] : memref<1000000x64xf32, #tpu.memory_space<hbm>> -> memref<1000000x64xf32, #tpu.memory_space<hbm>>
      tpu.wait_indirect_dma semaphore(%arg11 : memref<!tpu.dma_semaphore, #tpu.memory_space<semaphore_mem>>) src(%dma_wait3A_57 : memref<1000000x64xf32, #tpu.memory_space<hbm>>) dst(%arg7 : memref<256x64xf32, #tpu.memory_space<vmem>>)
      %scan3A_58 = arith.constant 0 : i32
      %scan3A_59 = arith.constant 0 : i32
      %scan3A_60 = arith.constant 32 : i32
      %scan3A_61 = arith.addi %scan3A_59, %scan3A_60 : i32
      %scan3A_62 = arith.constant 1 : i32
      scf.for %scan3A_68 = %scan3A_59 to %scan3A_61 step %scan3A_62  : i32 {
        %mul3A_69 = arith.constant 4 : i32
        %mul3A_70 = arith.muli %scan3A_68, %mul3A_69 : i32
        %add3A_71 = arith.constant 0 : i32
        %add3A_72 = arith.addi %mul3A_70, %add3A_71 : i32
        %mul3A_73 = arith.constant 2 : i32
        %mul3A_74 = arith.muli %mul3A_73, %add3A_72 : i32
        %get3A = arith.index_cast %mul3A_74 : i32 to index
        %get3A_75 = arith.constant 0 : index
        %get3A_76 = tpu.vector_load %arg7[%get3A, %get3A_75] {strides = array<i32>} : memref<256x64xf32, #tpu.memory_space<vmem>>, vector<1x16xf32>,
        %get3A_77 = vector.shape_cast %get3A_76 : vector<1x16xf32> to vector<16xf32>
        %mul3A_78 = arith.constant 8.000000e+00 : f32
        %mul3A_79 = vector.broadcast %mul3A_78 : f32 to vector<16xf32>
        %mul3A_80 = arith.mulf %get3A_77, %mul3A_79 : vector<16xf32>
        %swap3A = arith.index_cast %add3A_72 : i32 to index
        %swap3A_81 = arith.constant 0 : index
        %swap3A_82 = tpu.vector_load %arg9[%swap3A, %swap3A_81] {strides = array<i32>} : memref<128x128xf32, #tpu.memory_space<vmem>>, vector<1x16xf32>,
        %swap3A_83 = vector.shape_cast %swap3A_82 : vector<1x16xf32> to vector<16xf32>
        %swap3A_84 = vector.shape_cast %mul3A_80 : vector<16xf32> to vector<1x16xf32>
        tpu.vector_store %arg9[%swap3A, %swap3A_81], %swap3A_84 {strides = array<i32>} : memref<128x128xf32, #tpu.memory_space<vmem>>, vector<1x16xf32>,
        %mul3A_85 = arith.constant 2 : i32
        %mul3A_86 = arith.muli %mul3A_85, %add3A_72 : i32
        %add3A_87 = arith.constant 1 : i32
        %add3A_88 = arith.addi %mul3A_86, %add3A_87 : i32
        %get3A_89 = arith.index_cast %add3A_88 : i32 to index
        %get3A_90 = arith.constant 0 : index
        %get3A_91 = tpu.vector_load %arg7[%get3A_89, %get3A_90] {strides = array<i32>} : memref<256x64xf32, #tpu.memory_space<vmem>>, vector<1x16xf32>,
        %get3A_92 = vector.shape_cast %get3A_91 : vector<1x16xf32> to vector<16xf32>
        %mul3A_93 = arith.constant 8.000000e+00 : f32
        %mul3A_94 = vector.broadcast %mul3A_93 : f32 to vector<16xf32>
        %mul3A_95 = arith.mulf %get3A_92, %mul3A_94 : vector<16xf32>
        %swap3A_96 = arith.index_cast %add3A_72 : i32 to index
        %swap3A_97 = arith.constant 64 : index
        %swap3A_98 = tpu.vector_load %arg9[%swap3A_96, %swap3A_97] {strides = array<i32>} : memref<128x128xf32, #tpu.memory_space<vmem>>, vector<1x16xf32>,
        %swap3A_99 = vector.shape_cast %swap3A_98 : vector<1x16xf32> to vector<16xf32>
        %swap3A_100 = vector.shape_cast %mul3A_95 : vector<16xf32> to vector<1x16xf32>
        tpu.vector_store %arg9[%swap3A_96, %swap3A_97], %swap3A_100 {strides = array<i32>} : memref<128x128xf32, #tpu.memory_space<vmem>>, vector<1x16xf32>,
        %mul3A_101 = arith.constant 2 : i32
        %mul3A_102 = arith.muli %mul3A_101, %add3A_72 : i32
        %get3A_103 = arith.index_cast %mul3A_102 : i32 to index
        %get3A_104 = arith.constant 16 : index
        %get3A_105 = tpu.vector_load %arg7[%get3A_103, %get3A_104] {strides = array<i32>} : memref<256x64xf32, #tpu.memory_space<vmem>>, vector<1x16xf32>,
        %get3A_106 = vector.shape_cast %get3A_105 : vector<1x16xf32> to vector<16xf32>
        %mul3A_107 = arith.constant 8.000000e+00 : f32
        %mul3A_108 = vector.broadcast %mul3A_107 : f32 to vector<16xf32>
        %mul3A_109 = arith.mulf %get3A_106, %mul3A_108 : vector<16xf32>
        %swap3A_110 = arith.index_cast %add3A_72 : i32 to index
        %swap3A_111 = arith.constant 16 : index
        %swap3A_112 = tpu.vector_load %arg9[%swap3A_110, %swap3A_111] {strides = array<i32>} : memref<128x128xf32, #tpu.memory_space<vmem>>, vector<1x16xf32>,
        %swap3A_113 = vector.shape_cast %swap3A_112 : vector<1x16xf32> to vector<16xf32>
        %swap3A_114 = vector.shape_cast %mul3A_109 : vector<16xf32> to vector<1x16xf32>
        tpu.vector_store %arg9[%swap3A_110, %swap3A_111], %swap3A_114 {strides = array<i32>} : memref<128x128xf32, #tpu.memory_space<vmem>>, vector<1x16xf32>,
        %mul3A_115 = arith.constant 2 : i32
        %mul3A_116 = arith.muli %mul3A_115, %add3A_72 : i32
        %add3A_117 = arith.constant 1 : i32
        %add3A_118 = arith.addi %mul3A_116, %add3A_117 : i32
        %get3A_119 = arith.index_cast %add3A_118 : i32 to index
        %get3A_120 = arith.constant 16 : index
        %get3A_121 = tpu.vector_load %arg7[%get3A_119, %get3A_120] {strides = array<i32>} : memref<256x64xf32, #tpu.memory_space<vmem>>, vector<1x16xf32>,
        %get3A_122 = vector.shape_cast %get3A_121 : vector<1x16xf32> to vector<16xf32>
        %mul3A_123 = arith.constant 8.000000e+00 : f32
        %mul3A_124 = vector.broadcast %mul3A_123 : f32 to vector<16xf32>
        %mul3A_125 = arith.mulf %get3A_122, %mul3A_124 : vector<16xf32>
        %swap3A_126 = arith.index_cast %add3A_72 : i32 to index
        %swap3A_127 = arith.constant 80 : index
        %swap3A_128 = tpu.vector_load %arg9[%swap3A_126, %swap3A_127] {strides = array<i32>} : memref<128x128xf32, #tpu.memory_space<vmem>>, vector<1x16xf32>,
        %swap3A_129 = vector.shape_cast %swap3A_128 : vector<1x16xf32> to vector<16xf32>
        %swap3A_130 = vector.shape_cast %mul3A_125 : vector<16xf32> to vector<1x16xf32>
        tpu.vector_store %arg9[%swap3A_126, %swap3A_127], %swap3A_130 {strides = array<i32>} : memref<128x128xf32, #tpu.memory_space<vmem>>, vector<1x16xf32>,
        %mul3A_131 = arith.constant 2 : i32
        %mul3A_132 = arith.muli %mul3A_131, %add3A_72 : i32
        %get3A_133 = arith.index_cast %mul3A_132 : i32 to index
        %get3A_134 = arith.constant 32 : index
        %get3A_135 = tpu.vector_load %arg7[%get3A_133, %get3A_134] {strides = array<i32>} : memref<256x64xf32, #tpu.memory_space<vmem>>, vector<1x16xf32>,
        %get3A_136 = vector.shape_cast %get3A_135 : vector<1x16xf32> to vector<16xf32>
        %mul3A_137 = arith.constant 8.000000e+00 : f32
        %mul3A_138 = vector.broadcast %mul3A_137 : f32 to vector<16xf32>
        %mul3A_139 = arith.mulf %get3A_136, %mul3A_138 : vector<16xf32>
        %swap3A_140 = arith.index_cast %add3A_72 : i32 to index
        %swap3A_141 = arith.constant 32 : index
        %swap3A_142 = tpu.vector_load %arg9[%swap3A_140, %swap3A_141] {strides = array<i32>} : memref<128x128xf32, #tpu.memory_space<vmem>>, vector<1x16xf32>,
        %swap3A_143 = vector.shape_cast %swap3A_142 : vector<1x16xf32> to vector<16xf32>
        %swap3A_144 = vector.shape_cast %mul3A_139 : vector<16xf32> to vector<1x16xf32>
        tpu.vector_store %arg9[%swap3A_140, %swap3A_141], %swap3A_144 {strides = array<i32>} : memref<128x128xf32, #tpu.memory_space<vmem>>, vector<1x16xf32>,
        %mul3A_145 = arith.constant 2 : i32
        %mul3A_146 = arith.muli %mul3A_145, %add3A_72 : i32
        %add3A_147 = arith.constant 1 : i32
        %add3A_148 = arith.addi %mul3A_146, %add3A_147 : i32
        %get3A_149 = arith.index_cast %add3A_148 : i32 to index
        %get3A_150 = arith.constant 32 : index
        %get3A_151 = tpu.vector_load %arg7[%get3A_149, %get3A_150] {strides = array<i32>} : memref<256x64xf32, #tpu.memory_space<vmem>>, vector<1x16xf32>,
        %get3A_152 = vector.shape_cast %get3A_151 : vector<1x16xf32> to vector<16xf32>
        %mul3A_153 = arith.constant 8.000000e+00 : f32
        %mul3A_154 = vector.broadcast %mul3A_153 : f32 to vector<16xf32>
        %mul3A_155 = arith.mulf %get3A_152, %mul3A_154 : vector<16xf32>
        %swap3A_156 = arith.index_cast %add3A_72 : i32 to index
        %swap3A_157 = arith.constant 96 : index
        %swap3A_158 = tpu.vector_load %arg9[%swap3A_156, %swap3A_157] {strides = array<i32>} : memref<128x128xf32, #tpu.memory_space<vmem>>, vector<1x16xf32>,
        %swap3A_159 = vector.shape_cast %swap3A_158 : vector<1x16xf32> to vector<16xf32>
        %swap3A_160 = vector.shape_cast %mul3A_155 : vector<16xf32> to vector<1x16xf32>
        tpu.vector_store %arg9[%swap3A_156, %swap3A_157], %swap3A_160 {strides = array<i32>} : memref<128x128xf32, #tpu.memory_space<vmem>>, vector<1x16xf32>,
        %mul3A_161 = arith.constant 2 : i32
        %mul3A_162 = arith.muli %mul3A_161, %add3A_72 : i32
        %get3A_163 = arith.index_cast %mul3A_162 : i32 to index
        %get3A_164 = arith.constant 48 : index
        %get3A_165 = tpu.vector_load %arg7[%get3A_163, %get3A_164] {strides = array<i32>} : memref<256x64xf32, #tpu.memory_space<vmem>>, vector<1x16xf32>,
        %get3A_166 = vector.shape_cast %get3A_165 : vector<1x16xf32> to vector<16xf32>
        %mul3A_167 = arith.constant 8.000000e+00 : f32
        %mul3A_168 = vector.broadcast %mul3A_167 : f32 to vector<16xf32>
        %mul3A_169 = arith.mulf %get3A_166, %mul3A_168 : vector<16xf32>
        %swap3A_170 = arith.index_cast %add3A_72 : i32 to index
        %swap3A_171 = arith.constant 48 : index
        %swap3A_172 = tpu.vector_load %arg9[%swap3A_170, %swap3A_171] {strides = array<i32>} : memref<128x128xf32, #tpu.memory_space<vmem>>, vector<1x16xf32>,
        %swap3A_173 = vector.shape_cast %swap3A_172 : vector<1x16xf32> to vector<16xf32>
        %swap3A_174 = vector.shape_cast %mul3A_169 : vector<16xf32> to vector<1x16xf32>
        tpu.vector_store %arg9[%swap3A_170, %swap3A_171], %swap3A_174 {strides = array<i32>} : memref<128x128xf32, #tpu.memory_space<vmem>>, vector<1x16xf32>,
        %mul3A_175 = arith.constant 2 : i32
        %mul3A_176 = arith.muli %mul3A_175, %add3A_72 : i32
        %add3A_177 = arith.constant 1 : i32
        %add3A_178 = arith.addi %mul3A_176, %add3A_177 : i32
        %get3A_179 = arith.index_cast %add3A_178 : i32 to index
        %get3A_180 = arith.constant 48 : index
        %get3A_181 = tpu.vector_load %arg7[%get3A_179, %get3A_180] {strides = array<i32>} : memref<256x64xf32, #tpu.memory_space<vmem>>, vector<1x16xf32>,
        %get3A_182 = vector.shape_cast %get3A_181 : vector<1x16xf32> to vector<16xf32>
        %mul3A_183 = arith.constant 8.000000e+00 : f32
        %mul3A_184 = vector.broadcast %mul3A_183 : f32 to vector<16xf32>
        %mul3A_185 = arith.mulf %get3A_182, %mul3A_184 : vector<16xf32>
        %swap3A_186 = arith.index_cast %add3A_72 : i32 to index
        %swap3A_187 = arith.constant 112 : index
        %swap3A_188 = tpu.vector_load %arg9[%swap3A_186, %swap3A_187] {strides = array<i32>} : memref<128x128xf32, #tpu.memory_space<vmem>>, vector<1x16xf32>,
        %swap3A_189 = vector.shape_cast %swap3A_188 : vector<1x16xf32> to vector<16xf32>
        %swap3A_190 = vector.shape_cast %mul3A_185 : vector<16xf32> to vector<1x16xf32>
        tpu.vector_store %arg9[%swap3A_186, %swap3A_187], %swap3A_190 {strides = array<i32>} : memref<128x128xf32, #tpu.memory_space<vmem>>, vector<1x16xf32>,
        %mul3A_191 = arith.constant 4 : i32
        %mul3A_192 = arith.muli %scan3A_68, %mul3A_191 : i32
        %add3A_193 = arith.constant 1 : i32
        %add3A_194 = arith.addi %mul3A_192, %add3A_193 : i32
        %mul3A_195 = arith.constant 2 : i32
        %mul3A_196 = arith.muli %mul3A_195, %add3A_194 : i32
        %get3A_197 = arith.index_cast %mul3A_196 : i32 to index
        %get3A_198 = arith.constant 0 : index
        %get3A_199 = tpu.vector_load %arg7[%get3A_197, %get3A_198] {strides = array<i32>} : memref<256x64xf32, #tpu.memory_space<vmem>>, vector<1x16xf32>,
        %get3A_200 = vector.shape_cast %get3A_199 : vector<1x16xf32> to vector<16xf32>
        %mul3A_201 = arith.constant 8.000000e+00 : f32
        %mul3A_202 = vector.broadcast %mul3A_201 : f32 to vector<16xf32>
        %mul3A_203 = arith.mulf %get3A_200, %mul3A_202 : vector<16xf32>
        %swap3A_204 = arith.index_cast %add3A_194 : i32 to index
        %swap3A_205 = arith.constant 0 : index
        %swap3A_206 = tpu.vector_load %arg9[%swap3A_204, %swap3A_205] {strides = array<i32>} : memref<128x128xf32, #tpu.memory_space<vmem>>, vector<1x16xf32>,
        %swap3A_207 = vector.shape_cast %swap3A_206 : vector<1x16xf32> to vector<16xf32>
        %swap3A_208 = vector.shape_cast %mul3A_203 : vector<16xf32> to vector<1x16xf32>
        tpu.vector_store %arg9[%swap3A_204, %swap3A_205], %swap3A_208 {strides = array<i32>} : memref<128x128xf32, #tpu.memory_space<vmem>>, vector<1x16xf32>,
        %mul3A_209 = arith.constant 2 : i32
        %mul3A_210 = arith.muli %mul3A_209, %add3A_194 : i32
        %add3A_211 = arith.constant 1 : i32
        %add3A_212 = arith.addi %mul3A_210, %add3A_211 : i32
        %get3A_213 = arith.index_cast %add3A_212 : i32 to index
        %get3A_214 = arith.constant 0 : index
        %get3A_215 = tpu.vector_load %arg7[%get3A_213, %get3A_214] {strides = array<i32>} : memref<256x64xf32, #tpu.memory_space<vmem>>, vector<1x16xf32>,
        %get3A_216 = vector.shape_cast %get3A_215 : vector<1x16xf32> to vector<16xf32>
        %mul3A_217 = arith.constant 8.000000e+00 : f32
        %mul3A_218 = vector.broadcast %mul3A_217 : f32 to vector<16xf32>
        %mul3A_219 = arith.mulf %get3A_216, %mul3A_218 : vector<16xf32>
        %swap3A_220 = arith.index_cast %add3A_194 : i32 to index
        %swap3A_221 = arith.constant 64 : index
        %swap3A_222 = tpu.vector_load %arg9[%swap3A_220, %swap3A_221] {strides = array<i32>} : memref<128x128xf32, #tpu.memory_space<vmem>>, vector<1x16xf32>,
        %swap3A_223 = vector.shape_cast %swap3A_222 : vector<1x16xf32> to vector<16xf32>
        %swap3A_224 = vector.shape_cast %mul3A_219 : vector<16xf32> to vector<1x16xf32>
        tpu.vector_store %arg9[%swap3A_220, %swap3A_221], %swap3A_224 {strides = array<i32>} : memref<128x128xf32, #tpu.memory_space<vmem>>, vector<1x16xf32>,
        %mul3A_225 = arith.constant 2 : i32
        %mul3A_226 = arith.muli %mul3A_225, %add3A_194 : i32
        %get3A_227 = arith.index_cast %mul3A_226 : i32 to index
        %get3A_228 = arith.constant 16 : index
        %get3A_229 = tpu.vector_load %arg7[%get3A_227, %get3A_228] {strides = array<i32>} : memref<256x64xf32, #tpu.memory_space<vmem>>, vector<1x16xf32>,
        %get3A_230 = vector.shape_cast %get3A_229 : vector<1x16xf32> to vector<16xf32>
        %mul3A_231 = arith.constant 8.000000e+00 : f32
        %mul3A_232 = vector.broadcast %mul3A_231 : f32 to vector<16xf32>
        %mul3A_233 = arith.mulf %get3A_230, %mul3A_232 : vector<16xf32>
        %swap3A_234 = arith.index_cast %add3A_194 : i32 to index
        %swap3A_235 = arith.constant 16 : index
        %swap3A_236 = tpu.vector_load %arg9[%swap3A_234, %swap3A_235] {strides = array<i32>} : memref<128x128xf32, #tpu.memory_space<vmem>>, vector<1x16xf32>,
        %swap3A_237 = vector.shape_cast %swap3A_236 : vector<1x16xf32> to vector<16xf32>
        %swap3A_238 = vector.shape_cast %mul3A_233 : vector<16xf32> to vector<1x16xf32>
        tpu.vector_store %arg9[%swap3A_234, %swap3A_235], %swap3A_238 {strides = array<i32>} : memref<128x128xf32, #tpu.memory_space<vmem>>, vector<1x16xf32>,
        %mul3A_239 = arith.constant 2 : i32
        %mul3A_240 = arith.muli %mul3A_239, %add3A_194 : i32
        %add3A_241 = arith.constant 1 : i32
        %add3A_242 = arith.addi %mul3A_240, %add3A_241 : i32
        %get3A_243 = arith.index_cast %add3A_242 : i32 to index
        %get3A_244 = arith.constant 16 : index
        %get3A_245 = tpu.vector_load %arg7[%get3A_243, %get3A_244] {strides = array<i32>} : memref<256x64xf32, #tpu.memory_space<vmem>>, vector<1x16xf32>,
        %get3A_246 = vector.shape_cast %get3A_245 : vector<1x16xf32> to vector<16xf32>
        %mul3A_247 = arith.constant 8.000000e+00 : f32
        %mul3A_248 = vector.broadcast %mul3A_247 : f32 to vector<16xf32>
        %mul3A_249 = arith.mulf %get3A_246, %mul3A_248 : vector<16xf32>
        %swap3A_250 = arith.index_cast %add3A_194 : i32 to index
        %swap3A_251 = arith.constant 80 : index
        %swap3A_252 = tpu.vector_load %arg9[%swap3A_250, %swap3A_251] {strides = array<i32>} : memref<128x128xf32, #tpu.memory_space<vmem>>, vector<1x16xf32>,
        %swap3A_253 = vector.shape_cast %swap3A_252 : vector<1x16xf32> to vector<16xf32>
        %swap3A_254 = vector.shape_cast %mul3A_249 : vector<16xf32> to vector<1x16xf32>
        tpu.vector_store %arg9[%swap3A_250, %swap3A_251], %swap3A_254 {strides = array<i32>} : memref<128x128xf32, #tpu.memory_space<vmem>>, vector<1x16xf32>,
        %mul3A_255 = arith.constant 2 : i32
        %mul3A_256 = arith.muli %mul3A_255, %add3A_194 : i32
        %get3A_257 = arith.index_cast %mul3A_256 : i32 to index
        %get3A_258 = arith.constant 32 : index
        %get3A_259 = tpu.vector_load %arg7[%get3A_257, %get3A_258] {strides = array<i32>} : memref<256x64xf32, #tpu.memory_space<vmem>>, vector<1x16xf32>,
        %get3A_260 = vector.shape_cast %get3A_259 : vector<1x16xf32> to vector<16xf32>
        %mul3A_261 = arith.constant 8.000000e+00 : f32
        %mul3A_262 = vector.broadcast %mul3A_261 : f32 to vector<16xf32>
        %mul3A_263 = arith.mulf %get3A_260, %mul3A_262 : vector<16xf32>
        %swap3A_264 = arith.index_cast %add3A_194 : i32 to index
        %swap3A_265 = arith.constant 32 : index
        %swap3A_266 = tpu.vector_load %arg9[%swap3A_264, %swap3A_265] {strides = array<i32>} : memref<128x128xf32, #tpu.memory_space<vmem>>, vector<1x16xf32>,
        %swap3A_267 = vector.shape_cast %swap3A_266 : vector<1x16xf32> to vector<16xf32>
        %swap3A_268 = vector.shape_cast %mul3A_263 : vector<16xf32> to vector<1x16xf32>
        tpu.vector_store %arg9[%swap3A_264, %swap3A_265], %swap3A_268 {strides = array<i32>} : memref<128x128xf32, #tpu.memory_space<vmem>>, vector<1x16xf32>,
        %mul3A_269 = arith.constant 2 : i32
        %mul3A_270 = arith.muli %mul3A_269, %add3A_194 : i32
        %add3A_271 = arith.constant 1 : i32
        %add3A_272 = arith.addi %mul3A_270, %add3A_271 : i32
        %get3A_273 = arith.index_cast %add3A_272 : i32 to index
        %get3A_274 = arith.constant 32 : index
        %get3A_275 = tpu.vector_load %arg7[%get3A_273, %get3A_274] {strides = array<i32>} : memref<256x64xf32, #tpu.memory_space<vmem>>, vector<1x16xf32>,
        %get3A_276 = vector.shape_cast %get3A_275 : vector<1x16xf32> to vector<16xf32>
        %mul3A_277 = arith.constant 8.000000e+00 : f32
        %mul3A_278 = vector.broadcast %mul3A_277 : f32 to vector<16xf32>
        %mul3A_279 = arith.mulf %get3A_276, %mul3A_278 : vector<16xf32>
        %swap3A_280 = arith.index_cast %add3A_194 : i32 to index
        %swap3A_281 = arith.constant 96 : index
        %swap3A_282 = tpu.vector_load %arg9[%swap3A_280, %swap3A_281] {strides = array<i32>} : memref<128x128xf32, #tpu.memory_space<vmem>>, vector<1x16xf32>,
        %swap3A_283 = vector.shape_cast %swap3A_282 : vector<1x16xf32> to vector<16xf32>
        %swap3A_284 = vector.shape_cast %mul3A_279 : vector<16xf32> to vector<1x16xf32>
        tpu.vector_store %arg9[%swap3A_280, %swap3A_281], %swap3A_284 {strides = array<i32>} : memref<128x128xf32, #tpu.memory_space<vmem>>, vector<1x16xf32>,
        %mul3A_285 = arith.constant 2 : i32
        %mul3A_286 = arith.muli %mul3A_285, %add3A_194 : i32
        %get3A_287 = arith.index_cast %mul3A_286 : i32 to index
        %get3A_288 = arith.constant 48 : index
        %get3A_289 = tpu.vector_load %arg7[%get3A_287, %get3A_288] {strides = array<i32>} : memref<256x64xf32, #tpu.memory_space<vmem>>, vector<1x16xf32>,
        %get3A_290 = vector.shape_cast %get3A_289 : vector<1x16xf32> to vector<16xf32>
        %mul3A_291 = arith.constant 8.000000e+00 : f32
        %mul3A_292 = vector.broadcast %mul3A_291 : f32 to vector<16xf32>
        %mul3A_293 = arith.mulf %get3A_290, %mul3A_292 : vector<16xf32>
        %swap3A_294 = arith.index_cast %add3A_194 : i32 to index
        %swap3A_295 = arith.constant 48 : index
        %swap3A_296 = tpu.vector_load %arg9[%swap3A_294, %swap3A_295] {strides = array<i32>} : memref<128x128xf32, #tpu.memory_space<vmem>>, vector<1x16xf32>,
        %swap3A_297 = vector.shape_cast %swap3A_296 : vector<1x16xf32> to vector<16xf32>
        %swap3A_298 = vector.shape_cast %mul3A_293 : vector<16xf32> to vector<1x16xf32>
        tpu.vector_store %arg9[%swap3A_294, %swap3A_295], %swap3A_298 {strides = array<i32>} : memref<128x128xf32, #tpu.memory_space<vmem>>, vector<1x16xf32>,
        %mul3A_299 = arith.constant 2 : i32
        %mul3A_300 = arith.muli %mul3A_299, %add3A_194 : i32
        %add3A_301 = arith.constant 1 : i32
        %add3A_302 = arith.addi %mul3A_300, %add3A_301 : i32
        %get3A_303 = arith.index_cast %add3A_302 : i32 to index
        %get3A_304 = arith.constant 48 : index
        %get3A_305 = tpu.vector_load %arg7[%get3A_303, %get3A_304] {strides = array<i32>} : memref<256x64xf32, #tpu.memory_space<vmem>>, vector<1x16xf32>,
        %get3A_306 = vector.shape_cast %get3A_305 : vector<1x16xf32> to vector<16xf32>
        %mul3A_307 = arith.constant 8.000000e+00 : f32
        %mul3A_308 = vector.broadcast %mul3A_307 : f32 to vector<16xf32>
        %mul3A_309 = arith.mulf %get3A_306, %mul3A_308 : vector<16xf32>
        %swap3A_310 = arith.index_cast %add3A_194 : i32 to index
        %swap3A_311 = arith.constant 112 : index
        %swap3A_312 = tpu.vector_load %arg9[%swap3A_310, %swap3A_311] {strides = array<i32>} : memref<128x128xf32, #tpu.memory_space<vmem>>, vector<1x16xf32>,
        %swap3A_313 = vector.shape_cast %swap3A_312 : vector<1x16xf32> to vector<16xf32>
        %swap3A_314 = vector.shape_cast %mul3A_309 : vector<16xf32> to vector<1x16xf32>
        tpu.vector_store %arg9[%swap3A_310, %swap3A_311], %swap3A_314 {strides = array<i32>} : memref<128x128xf32, #tpu.memory_space<vmem>>, vector<1x16xf32>,
        %mul3A_315 = arith.constant 4 : i32
        %mul3A_316 = arith.muli %scan3A_68, %mul3A_315 : i32
        %add3A_317 = arith.constant 2 : i32
        %add3A_318 = arith.addi %mul3A_316, %add3A_317 : i32
        %mul3A_319 = arith.constant 2 : i32
        %mul3A_320 = arith.muli %mul3A_319, %add3A_318 : i32
        %get3A_321 = arith.index_cast %mul3A_320 : i32 to index
        %get3A_322 = arith.constant 0 : index
        %get3A_323 = tpu.vector_load %arg7[%get3A_321, %get3A_322] {strides = array<i32>} : memref<256x64xf32, #tpu.memory_space<vmem>>, vector<1x16xf32>,
        %get3A_324 = vector.shape_cast %get3A_323 : vector<1x16xf32> to vector<16xf32>
        %mul3A_325 = arith.constant 8.000000e+00 : f32
        %mul3A_326 = vector.broadcast %mul3A_325 : f32 to vector<16xf32>
        %mul3A_327 = arith.mulf %get3A_324, %mul3A_326 : vector<16xf32>
        %swap3A_328 = arith.index_cast %add3A_318 : i32 to index
        %swap3A_329 = arith.constant 0 : index
        %swap3A_330 = tpu.vector_load %arg9[%swap3A_328, %swap3A_329] {strides = array<i32>} : memref<128x128xf32, #tpu.memory_space<vmem>>, vector<1x16xf32>,
        %swap3A_331 = vector.shape_cast %swap3A_330 : vector<1x16xf32> to vector<16xf32>
        %swap3A_332 = vector.shape_cast %mul3A_327 : vector<16xf32> to vector<1x16xf32>
        tpu.vector_store %arg9[%swap3A_328, %swap3A_329], %swap3A_332 {strides = array<i32>} : memref<128x128xf32, #tpu.memory_space<vmem>>, vector<1x16xf32>,
        %mul3A_333 = arith.constant 2 : i32
        %mul3A_334 = arith.muli %mul3A_333, %add3A_318 : i32
        %add3A_335 = arith.constant 1 : i32
        %add3A_336 = arith.addi %mul3A_334, %add3A_335 : i32
        %get3A_337 = arith.index_cast %add3A_336 : i32 to index
        %get3A_338 = arith.constant 0 : index
        %get3A_339 = tpu.vector_load %arg7[%get3A_337, %get3A_338] {strides = array<i32>} : memref<256x64xf32, #tpu.memory_space<vmem>>, vector<1x16xf32>,
        %get3A_340 = vector.shape_cast %get3A_339 : vector<1x16xf32> to vector<16xf32>
        %mul3A_341 = arith.constant 8.000000e+00 : f32
        %mul3A_342 = vector.broadcast %mul3A_341 : f32 to vector<16xf32>
        %mul3A_343 = arith.mulf %get3A_340, %mul3A_342 : vector<16xf32>
        %swap3A_344 = arith.index_cast %add3A_318 : i32 to index
        %swap3A_345 = arith.constant 64 : index
        %swap3A_346 = tpu.vector_load %arg9[%swap3A_344, %swap3A_345] {strides = array<i32>} : memref<128x128xf32, #tpu.memory_space<vmem>>, vector<1x16xf32>,
        %swap3A_347 = vector.shape_cast %swap3A_346 : vector<1x16xf32> to vector<16xf32>
        %swap3A_348 = vector.shape_cast %mul3A_343 : vector<16xf32> to vector<1x16xf32>
        tpu.vector_store %arg9[%swap3A_344, %swap3A_345], %swap3A_348 {strides = array<i32>} : memref<128x128xf32, #tpu.memory_space<vmem>>, vector<1x16xf32>,
        %mul3A_349 = arith.constant 2 : i32
        %mul3A_350 = arith.muli %mul3A_349, %add3A_318 : i32
        %get3A_351 = arith.index_cast %mul3A_350 : i32 to index
        %get3A_352 = arith.constant 16 : index
        %get3A_353 = tpu.vector_load %arg7[%get3A_351, %get3A_352] {strides = array<i32>} : memref<256x64xf32, #tpu.memory_space<vmem>>, vector<1x16xf32>,
        %get3A_354 = vector.shape_cast %get3A_353 : vector<1x16xf32> to vector<16xf32>
        %mul3A_355 = arith.constant 8.000000e+00 : f32
        %mul3A_356 = vector.broadcast %mul3A_355 : f32 to vector<16xf32>
        %mul3A_357 = arith.mulf %get3A_354, %mul3A_356 : vector<16xf32>
        %swap3A_358 = arith.index_cast %add3A_318 : i32 to index
        %swap3A_359 = arith.constant 16 : index
        %swap3A_360 = tpu.vector_load %arg9[%swap3A_358, %swap3A_359] {strides = array<i32>} : memref<128x128xf32, #tpu.memory_space<vmem>>, vector<1x16xf32>,
        %swap3A_361 = vector.shape_cast %swap3A_360 : vector<1x16xf32> to vector<16xf32>
        %swap3A_362 = vector.shape_cast %mul3A_357 : vector<16xf32> to vector<1x16xf32>
        tpu.vector_store %arg9[%swap3A_358, %swap3A_359], %swap3A_362 {strides = array<i32>} : memref<128x128xf32, #tpu.memory_space<vmem>>, vector<1x16xf32>,
        %mul3A_363 = arith.constant 2 : i32
        %mul3A_364 = arith.muli %mul3A_363, %add3A_318 : i32
        %add3A_365 = arith.constant 1 : i32
        %add3A_366 = arith.addi %mul3A_364, %add3A_365 : i32
        %get3A_367 = arith.index_cast %add3A_366 : i32 to index
        %get3A_368 = arith.constant 16 : index
        %get3A_369 = tpu.vector_load %arg7[%get3A_367, %get3A_368] {strides = array<i32>} : memref<256x64xf32, #tpu.memory_space<vmem>>, vector<1x16xf32>,
        %get3A_370 = vector.shape_cast %get3A_369 : vector<1x16xf32> to vector<16xf32>
        %mul3A_371 = arith.constant 8.000000e+00 : f32
        %mul3A_372 = vector.broadcast %mul3A_371 : f32 to vector<16xf32>
        %mul3A_373 = arith.mulf %get3A_370, %mul3A_372 : vector<16xf32>
        %swap3A_374 = arith.index_cast %add3A_318 : i32 to index
        %swap3A_375 = arith.constant 80 : index
        %swap3A_376 = tpu.vector_load %arg9[%swap3A_374, %swap3A_375] {strides = array<i32>} : memref<128x128xf32, #tpu.memory_space<vmem>>, vector<1x16xf32>,
        %swap3A_377 = vector.shape_cast %swap3A_376 : vector<1x16xf32> to vector<16xf32>
        %swap3A_378 = vector.shape_cast %mul3A_373 : vector<16xf32> to vector<1x16xf32>
        tpu.vector_store %arg9[%swap3A_374, %swap3A_375], %swap3A_378 {strides = array<i32>} : memref<128x128xf32, #tpu.memory_space<vmem>>, vector<1x16xf32>,
        %mul3A_379 = arith.constant 2 : i32
        %mul3A_380 = arith.muli %mul3A_379, %add3A_318 : i32
        %get3A_381 = arith.index_cast %mul3A_380 : i32 to index
        %get3A_382 = arith.constant 32 : index
        %get3A_383 = tpu.vector_load %arg7[%get3A_381, %get3A_382] {strides = array<i32>} : memref<256x64xf32, #tpu.memory_space<vmem>>, vector<1x16xf32>,
        %get3A_384 = vector.shape_cast %get3A_383 : vector<1x16xf32> to vector<16xf32>
        %mul3A_385 = arith.constant 8.000000e+00 : f32
        %mul3A_386 = vector.broadcast %mul3A_385 : f32 to vector<16xf32>
        %mul3A_387 = arith.mulf %get3A_384, %mul3A_386 : vector<16xf32>
        %swap3A_388 = arith.index_cast %add3A_318 : i32 to index
        %swap3A_389 = arith.constant 32 : index
        %swap3A_390 = tpu.vector_load %arg9[%swap3A_388, %swap3A_389] {strides = array<i32>} : memref<128x128xf32, #tpu.memory_space<vmem>>, vector<1x16xf32>,
        %swap3A_391 = vector.shape_cast %swap3A_390 : vector<1x16xf32> to vector<16xf32>
        %swap3A_392 = vector.shape_cast %mul3A_387 : vector<16xf32> to vector<1x16xf32>
        tpu.vector_store %arg9[%swap3A_388, %swap3A_389], %swap3A_392 {strides = array<i32>} : memref<128x128xf32, #tpu.memory_space<vmem>>, vector<1x16xf32>,
        %mul3A_393 = arith.constant 2 : i32
        %mul3A_394 = arith.muli %mul3A_393, %add3A_318 : i32
        %add3A_395 = arith.constant 1 : i32
        %add3A_396 = arith.addi %mul3A_394, %add3A_395 : i32
        %get3A_397 = arith.index_cast %add3A_396 : i32 to index
        %get3A_398 = arith.constant 32 : index
        %get3A_399 = tpu.vector_load %arg7[%get3A_397, %get3A_398] {strides = array<i32>} : memref<256x64xf32, #tpu.memory_space<vmem>>, vector<1x16xf32>,
        %get3A_400 = vector.shape_cast %get3A_399 : vector<1x16xf32> to vector<16xf32>
        %mul3A_401 = arith.constant 8.000000e+00 : f32
        %mul3A_402 = vector.broadcast %mul3A_401 : f32 to vector<16xf32>
        %mul3A_403 = arith.mulf %get3A_400, %mul3A_402 : vector<16xf32>
        %swap3A_404 = arith.index_cast %add3A_318 : i32 to index
        %swap3A_405 = arith.constant 96 : index
        %swap3A_406 = tpu.vector_load %arg9[%swap3A_404, %swap3A_405] {strides = array<i32>} : memref<128x128xf32, #tpu.memory_space<vmem>>, vector<1x16xf32>,
        %swap3A_407 = vector.shape_cast %swap3A_406 : vector<1x16xf32> to vector<16xf32>
        %swap3A_408 = vector.shape_cast %mul3A_403 : vector<16xf32> to vector<1x16xf32>
        tpu.vector_store %arg9[%swap3A_404, %swap3A_405], %swap3A_408 {strides = array<i32>} : memref<128x128xf32, #tpu.memory_space<vmem>>, vector<1x16xf32>,
        %mul3A_409 = arith.constant 2 : i32
        %mul3A_410 = arith.muli %mul3A_409, %add3A_318 : i32
        %get3A_411 = arith.index_cast %mul3A_410 : i32 to index
        %get3A_412 = arith.constant 48 : index
        %get3A_413 = tpu.vector_load %arg7[%get3A_411, %get3A_412] {strides = array<i32>} : memref<256x64xf32, #tpu.memory_space<vmem>>, vector<1x16xf32>,
        %get3A_414 = vector.shape_cast %get3A_413 : vector<1x16xf32> to vector<16xf32>
        %mul3A_415 = arith.constant 8.000000e+00 : f32
        %mul3A_416 = vector.broadcast %mul3A_415 : f32 to vector<16xf32>
        %mul3A_417 = arith.mulf %get3A_414, %mul3A_416 : vector<16xf32>
        %swap3A_418 = arith.index_cast %add3A_318 : i32 to index
        %swap3A_419 = arith.constant 48 : index
        %swap3A_420 = tpu.vector_load %arg9[%swap3A_418, %swap3A_419] {strides = array<i32>} : memref<128x128xf32, #tpu.memory_space<vmem>>, vector<1x16xf32>,
        %swap3A_421 = vector.shape_cast %swap3A_420 : vector<1x16xf32> to vector<16xf32>
        %swap3A_422 = vector.shape_cast %mul3A_417 : vector<16xf32> to vector<1x16xf32>
        tpu.vector_store %arg9[%swap3A_418, %swap3A_419], %swap3A_422 {strides = array<i32>} : memref<128x128xf32, #tpu.memory_space<vmem>>, vector<1x16xf32>,
        %mul3A_423 = arith.constant 2 : i32
        %mul3A_424 = arith.muli %mul3A_423, %add3A_318 : i32
        %add3A_425 = arith.constant 1 : i32
        %add3A_426 = arith.addi %mul3A_424, %add3A_425 : i32
        %get3A_427 = arith.index_cast %add3A_426 : i32 to index
        %get3A_428 = arith.constant 48 : index
        %get3A_429 = tpu.vector_load %arg7[%get3A_427, %get3A_428] {strides = array<i32>} : memref<256x64xf32, #tpu.memory_space<vmem>>, vector<1x16xf32>,
        %get3A_430 = vector.shape_cast %get3A_429 : vector<1x16xf32> to vector<16xf32>
        %mul3A_431 = arith.constant 8.000000e+00 : f32
        %mul3A_432 = vector.broadcast %mul3A_431 : f32 to vector<16xf32>
        %mul3A_433 = arith.mulf %get3A_430, %mul3A_432 : vector<16xf32>
        %swap3A_434 = arith.index_cast %add3A_318 : i32 to index
        %swap3A_435 = arith.constant 112 : index
        %swap3A_436 = tpu.vector_load %arg9[%swap3A_434, %swap3A_435] {strides = array<i32>} : memref<128x128xf32, #tpu.memory_space<vmem>>, vector<1x16xf32>,
        %swap3A_437 = vector.shape_cast %swap3A_436 : vector<1x16xf32> to vector<16xf32>
        %swap3A_438 = vector.shape_cast %mul3A_433 : vector<16xf32> to vector<1x16xf32>
        tpu.vector_store %arg9[%swap3A_434, %swap3A_435], %swap3A_438 {strides = array<i32>} : memref<128x128xf32, #tpu.memory_space<vmem>>, vector<1x16xf32>,
        %mul3A_439 = arith.constant 4 : i32
        %mul3A_440 = arith.muli %scan3A_68, %mul3A_439 : i32
        %add3A_441 = arith.constant 3 : i32
        %add3A_442 = arith.addi %mul3A_440, %add3A_441 : i32
        %mul3A_443 = arith.constant 2 : i32
        %mul3A_444 = arith.muli %mul3A_443, %add3A_442 : i32
        %get3A_445 = arith.index_cast %mul3A_444 : i32 to index
        %get3A_446 = arith.constant 0 : index
        %get3A_447 = tpu.vector_load %arg7[%get3A_445, %get3A_446] {strides = array<i32>} : memref<256x64xf32, #tpu.memory_space<vmem>>, vector<1x16xf32>,
        %get3A_448 = vector.shape_cast %get3A_447 : vector<1x16xf32> to vector<16xf32>
        %mul3A_449 = arith.constant 8.000000e+00 : f32
        %mul3A_450 = vector.broadcast %mul3A_449 : f32 to vector<16xf32>
        %mul3A_451 = arith.mulf %get3A_448, %mul3A_450 : vector<16xf32>
        %swap3A_452 = arith.index_cast %add3A_442 : i32 to index
        %swap3A_453 = arith.constant 0 : index
        %swap3A_454 = tpu.vector_load %arg9[%swap3A_452, %swap3A_453] {strides = array<i32>} : memref<128x128xf32, #tpu.memory_space<vmem>>, vector<1x16xf32>,
        %swap3A_455 = vector.shape_cast %swap3A_454 : vector<1x16xf32> to vector<16xf32>
        %swap3A_456 = vector.shape_cast %mul3A_451 : vector<16xf32> to vector<1x16xf32>
        tpu.vector_store %arg9[%swap3A_452, %swap3A_453], %swap3A_456 {strides = array<i32>} : memref<128x128xf32, #tpu.memory_space<vmem>>, vector<1x16xf32>,
        %mul3A_457 = arith.constant 2 : i32
        %mul3A_458 = arith.muli %mul3A_457, %add3A_442 : i32
        %add3A_459 = arith.constant 1 : i32
        %add3A_460 = arith.addi %mul3A_458, %add3A_459 : i32
        %get3A_461 = arith.index_cast %add3A_460 : i32 to index
        %get3A_462 = arith.constant 0 : index
        %get3A_463 = tpu.vector_load %arg7[%get3A_461, %get3A_462] {strides = array<i32>} : memref<256x64xf32, #tpu.memory_space<vmem>>, vector<1x16xf32>,
        %get3A_464 = vector.shape_cast %get3A_463 : vector<1x16xf32> to vector<16xf32>
        %mul3A_465 = arith.constant 8.000000e+00 : f32
        %mul3A_466 = vector.broadcast %mul3A_465 : f32 to vector<16xf32>
        %mul3A_467 = arith.mulf %get3A_464, %mul3A_466 : vector<16xf32>
        %swap3A_468 = arith.index_cast %add3A_442 : i32 to index
        %swap3A_469 = arith.constant 64 : index
        %swap3A_470 = tpu.vector_load %arg9[%swap3A_468, %swap3A_469] {strides = array<i32>} : memref<128x128xf32, #tpu.memory_space<vmem>>, vector<1x16xf32>,
        %swap3A_471 = vector.shape_cast %swap3A_470 : vector<1x16xf32> to vector<16xf32>
        %swap3A_472 = vector.shape_cast %mul3A_467 : vector<16xf32> to vector<1x16xf32>
        tpu.vector_store %arg9[%swap3A_468, %swap3A_469], %swap3A_472 {strides = array<i32>} : memref<128x128xf32, #tpu.memory_space<vmem>>, vector<1x16xf32>,
        %mul3A_473 = arith.constant 2 : i32
        %mul3A_474 = arith.muli %mul3A_473, %add3A_442 : i32
        %get3A_475 = arith.index_cast %mul3A_474 : i32 to index
        %get3A_476 = arith.constant 16 : index
        %get3A_477 = tpu.vector_load %arg7[%get3A_475, %get3A_476] {strides = array<i32>} : memref<256x64xf32, #tpu.memory_space<vmem>>, vector<1x16xf32>,
        %get3A_478 = vector.shape_cast %get3A_477 : vector<1x16xf32> to vector<16xf32>
        %mul3A_479 = arith.constant 8.000000e+00 : f32
        %mul3A_480 = vector.broadcast %mul3A_479 : f32 to vector<16xf32>
        %mul3A_481 = arith.mulf %get3A_478, %mul3A_480 : vector<16xf32>
        %swap3A_482 = arith.index_cast %add3A_442 : i32 to index
        %swap3A_483 = arith.constant 16 : index
        %swap3A_484 = tpu.vector_load %arg9[%swap3A_482, %swap3A_483] {strides = array<i32>} : memref<128x128xf32, #tpu.memory_space<vmem>>, vector<1x16xf32>,
        %swap3A_485 = vector.shape_cast %swap3A_484 : vector<1x16xf32> to vector<16xf32>
        %swap3A_486 = vector.shape_cast %mul3A_481 : vector<16xf32> to vector<1x16xf32>
        tpu.vector_store %arg9[%swap3A_482, %swap3A_483], %swap3A_486 {strides = array<i32>} : memref<128x128xf32, #tpu.memory_space<vmem>>, vector<1x16xf32>,
        %mul3A_487 = arith.constant 2 : i32
        %mul3A_488 = arith.muli %mul3A_487, %add3A_442 : i32
        %add3A_489 = arith.constant 1 : i32
        %add3A_490 = arith.addi %mul3A_488, %add3A_489 : i32
        %get3A_491 = arith.index_cast %add3A_490 : i32 to index
        %get3A_492 = arith.constant 16 : index
        %get3A_493 = tpu.vector_load %arg7[%get3A_491, %get3A_492] {strides = array<i32>} : memref<256x64xf32, #tpu.memory_space<vmem>>, vector<1x16xf32>,
        %get3A_494 = vector.shape_cast %get3A_493 : vector<1x16xf32> to vector<16xf32>
        %mul3A_495 = arith.constant 8.000000e+00 : f32
        %mul3A_496 = vector.broadcast %mul3A_495 : f32 to vector<16xf32>
        %mul3A_497 = arith.mulf %get3A_494, %mul3A_496 : vector<16xf32>
        %swap3A_498 = arith.index_cast %add3A_442 : i32 to index
        %swap3A_499 = arith.constant 80 : index
        %swap3A_500 = tpu.vector_load %arg9[%swap3A_498, %swap3A_499] {strides = array<i32>} : memref<128x128xf32, #tpu.memory_space<vmem>>, vector<1x16xf32>,
        %swap3A_501 = vector.shape_cast %swap3A_500 : vector<1x16xf32> to vector<16xf32>
        %swap3A_502 = vector.shape_cast %mul3A_497 : vector<16xf32> to vector<1x16xf32>
        tpu.vector_store %arg9[%swap3A_498, %swap3A_499], %swap3A_502 {strides = array<i32>} : memref<128x128xf32, #tpu.memory_space<vmem>>, vector<1x16xf32>,
        %mul3A_503 = arith.constant 2 : i32
        %mul3A_504 = arith.muli %mul3A_503, %add3A_442 : i32
        %get3A_505 = arith.index_cast %mul3A_504 : i32 to index
        %get3A_506 = arith.constant 32 : index
        %get3A_507 = tpu.vector_load %arg7[%get3A_505, %get3A_506] {strides = array<i32>} : memref<256x64xf32, #tpu.memory_space<vmem>>, vector<1x16xf32>,
        %get3A_508 = vector.shape_cast %get3A_507 : vector<1x16xf32> to vector<16xf32>
        %mul3A_509 = arith.constant 8.000000e+00 : f32
        %mul3A_510 = vector.broadcast %mul3A_509 : f32 to vector<16xf32>
        %mul3A_511 = arith.mulf %get3A_508, %mul3A_510 : vector<16xf32>
        %swap3A_512 = arith.index_cast %add3A_442 : i32 to index
        %swap3A_513 = arith.constant 32 : index
        %swap3A_514 = tpu.vector_load %arg9[%swap3A_512, %swap3A_513] {strides = array<i32>} : memref<128x128xf32, #tpu.memory_space<vmem>>, vector<1x16xf32>,
        %swap3A_515 = vector.shape_cast %swap3A_514 : vector<1x16xf32> to vector<16xf32>
        %swap3A_516 = vector.shape_cast %mul3A_511 : vector<16xf32> to vector<1x16xf32>
        tpu.vector_store %arg9[%swap3A_512, %swap3A_513], %swap3A_516 {strides = array<i32>} : memref<128x128xf32, #tpu.memory_space<vmem>>, vector<1x16xf32>,
        %mul3A_517 = arith.constant 2 : i32
        %mul3A_518 = arith.muli %mul3A_517, %add3A_442 : i32
        %add3A_519 = arith.constant 1 : i32
        %add3A_520 = arith.addi %mul3A_518, %add3A_519 : i32
        %get3A_521 = arith.index_cast %add3A_520 : i32 to index
        %get3A_522 = arith.constant 32 : index
        %get3A_523 = tpu.vector_load %arg7[%get3A_521, %get3A_522] {strides = array<i32>} : memref<256x64xf32, #tpu.memory_space<vmem>>, vector<1x16xf32>,
        %get3A_524 = vector.shape_cast %get3A_523 : vector<1x16xf32> to vector<16xf32>
        %mul3A_525 = arith.constant 8.000000e+00 : f32
        %mul3A_526 = vector.broadcast %mul3A_525 : f32 to vector<16xf32>
        %mul3A_527 = arith.mulf %get3A_524, %mul3A_526 : vector<16xf32>
        %swap3A_528 = arith.index_cast %add3A_442 : i32 to index
        %swap3A_529 = arith.constant 96 : index
        %swap3A_530 = tpu.vector_load %arg9[%swap3A_528, %swap3A_529] {strides = array<i32>} : memref<128x128xf32, #tpu.memory_space<vmem>>, vector<1x16xf32>,
        %swap3A_531 = vector.shape_cast %swap3A_530 : vector<1x16xf32> to vector<16xf32>
        %swap3A_532 = vector.shape_cast %mul3A_527 : vector<16xf32> to vector<1x16xf32>
        tpu.vector_store %arg9[%swap3A_528, %swap3A_529], %swap3A_532 {strides = array<i32>} : memref<128x128xf32, #tpu.memory_space<vmem>>, vector<1x16xf32>,
        %mul3A_533 = arith.constant 2 : i32
        %mul3A_534 = arith.muli %mul3A_533, %add3A_442 : i32
        %get3A_535 = arith.index_cast %mul3A_534 : i32 to index
        %get3A_536 = arith.constant 48 : index
        %get3A_537 = tpu.vector_load %arg7[%get3A_535, %get3A_536] {strides = array<i32>} : memref<256x64xf32, #tpu.memory_space<vmem>>, vector<1x16xf32>,
        %get3A_538 = vector.shape_cast %get3A_537 : vector<1x16xf32> to vector<16xf32>
        %mul3A_539 = arith.constant 8.000000e+00 : f32
        %mul3A_540 = vector.broadcast %mul3A_539 : f32 to vector<16xf32>
        %mul3A_541 = arith.mulf %get3A_538, %mul3A_540 : vector<16xf32>
        %swap3A_542 = arith.index_cast %add3A_442 : i32 to index
        %swap3A_543 = arith.constant 48 : index
        %swap3A_544 = tpu.vector_load %arg9[%swap3A_542, %swap3A_543] {strides = array<i32>} : memref<128x128xf32, #tpu.memory_space<vmem>>, vector<1x16xf32>,
        %swap3A_545 = vector.shape_cast %swap3A_544 : vector<1x16xf32> to vector<16xf32>
        %swap3A_546 = vector.shape_cast %mul3A_541 : vector<16xf32> to vector<1x16xf32>
        tpu.vector_store %arg9[%swap3A_542, %swap3A_543], %swap3A_546 {strides = array<i32>} : memref<128x128xf32, #tpu.memory_space<vmem>>, vector<1x16xf32>,
        %mul3A_547 = arith.constant 2 : i32
        %mul3A_548 = arith.muli %mul3A_547, %add3A_442 : i32
        %add3A_549 = arith.constant 1 : i32
        %add3A_550 = arith.addi %mul3A_548, %add3A_549 : i32
        %get3A_551 = arith.index_cast %add3A_550 : i32 to index
        %get3A_552 = arith.constant 48 : index
        %get3A_553 = tpu.vector_load %arg7[%get3A_551, %get3A_552] {strides = array<i32>} : memref<256x64xf32, #tpu.memory_space<vmem>>, vector<1x16xf32>,
        %get3A_554 = vector.shape_cast %get3A_553 : vector<1x16xf32> to vector<16xf32>
        %mul3A_555 = arith.constant 8.000000e+00 : f32
        %mul3A_556 = vector.broadcast %mul3A_555 : f32 to vector<16xf32>
        %mul3A_557 = arith.mulf %get3A_554, %mul3A_556 : vector<16xf32>
        %swap3A_558 = arith.index_cast %add3A_442 : i32 to index
        %swap3A_559 = arith.constant 112 : index
        %swap3A_560 = tpu.vector_load %arg9[%swap3A_558, %swap3A_559] {strides = array<i32>} : memref<128x128xf32, #tpu.memory_space<vmem>>, vector<1x16xf32>,
        %swap3A_561 = vector.shape_cast %swap3A_560 : vector<1x16xf32> to vector<16xf32>
        %swap3A_562 = vector.shape_cast %mul3A_557 : vector<16xf32> to vector<1x16xf32>
        tpu.vector_store %arg9[%swap3A_558, %swap3A_559], %swap3A_562 {strides = array<i32>} : memref<128x128xf32, #tpu.memory_space<vmem>>, vector<1x16xf32>,
      }
      %scan3A_63 = arith.constant 32 : i32
      %mul3A_64 = arith.constant 128 : i32
      %mul3A_65 = arith.muli %add3A_43, %mul3A_64 : i32
      %add3A_66 = arith.addi %multiple_of3A_5, %mul3A_65 : i32
      %multiple_of3A_67 = tpu.assume_multiple %add3A_66, 8 : i32
      "tpu.region"() ({
        %run_scoped3A = tpu.sem_alloc : memref<!tpu.dma_semaphore, #tpu.memory_space<semaphore_mem>>
        %dma_start3A_68 = arith.constant 0 : i32
        %dma_start3A_69 = tpu.memref_slice %arg4[%multiple_of3A_67, %dma_start3A_68] : memref<409600x128xf32, #tpu.memory_space<hbm>> -> memref<128x128xf32, #tpu.memory_space<hbm>>
        %dma_start3A_70 = arith.constant 0 : i32
        %dma_start3A_71 = tpu.memref_slice %arg4[%multiple_of3A_67, %dma_start3A_70] : memref<409600x128xf32, #tpu.memory_space<hbm>> -> memref<128x128xf32, #tpu.memory_space<hbm>>
        tpu.enqueue_dma source(%arg9 : memref<128x128xf32, #tpu.memory_space<vmem>>) target(%dma_start3A_71 : memref<128x128xf32, #tpu.memory_space<hbm>>) target_semaphore(%run_scoped3A : memref<!tpu.dma_semaphore, #tpu.memory_space<semaphore_mem>>)
        %dma_wait3A_72 = arith.constant 0 : i32
        %dma_wait3A_73 = tpu.memref_slice %arg4[%multiple_of3A_67, %dma_wait3A_72] : memref<409600x128xf32, #tpu.memory_space<hbm>> -> memref<128x128xf32, #tpu.memory_space<hbm>>
        %dma_wait3A_74 = arith.constant 0 : i32
        %dma_wait3A_75 = tpu.memref_slice %arg4[%multiple_of3A_67, %dma_wait3A_74] : memref<409600x128xf32, #tpu.memory_space<hbm>> -> memref<128x128xf32, #tpu.memory_space<hbm>>
        tpu.wait_dma2 semaphore(%run_scoped3A : memref<!tpu.dma_semaphore, #tpu.memory_space<semaphore_mem>>) src(%arg9 : memref<128x128xf32, #tpu.memory_space<vmem>>) dst(%dma_wait3A_75 : memref<128x128xf32, #tpu.memory_space<hbm>>)
        tpu.yield
      }) : () -> ()
    }
    %scan3A_14 = arith.constant 50 : i32
    return
  }
}

</mosaic_0001>

<sc_bundles>
// kernel: kernel.3.cloned.1.call-start
scs
__scs_entry_jumppad:
0x0: {  	(pc) =	sbr.rel $0x88, $3  }
0x1: {  	(tag) =	ssettag $0x0;
	lr =	simm.s32 $0x1  }
0x2: {  	[smem:$0x3F9F] =	sst lr;
	_ =	strace $0xD0000000  }
0x3: {  	_ = 	snop  }
0x4: {  	_ = 	snop  }
0x5: {  	_ = 	snop  }
0x6: {  	_ = 	snop  }
0x7: {  	_ = 	snop  }
__scs_overlays_trampoline_lowered:
0x8: {  	[smem:$0x3FAE] =	sst s0  }
0x9: {  	[smem:$0x3FAF] =	sst s1  }
0xa: {  	[smem:$0x3FB0] =	sst s2  }
0xb: {  	[smem:$0x3FB1] =	sst s3  }
0xc: {  	[smem:$0x3FB2] =	sst s4  }
0xd: {  	[smem:$0x3FB3] =	sst s5  }
0xe: {  	[smem:$0x3FB4] =	sst s6  }
0xf: {  	[smem:$0x3FB5] =	sst s7  }
0x10: {  	[smem:$0x3FB6] =	sst s8  }
0x11: {  	[smem:$0x3FB7] =	sst s9;
	s0 =	simm.s32 @!p0 $0x0  }
0x12: {  	s1 =	sld [smem:$0x3F9D];
	s0 =	simm.s32 @p0 $0x1  }
0x13: {  	[smem:$0x3FB8] =	sst s0;
	s0 =	simm.s32 @!p1 $0x0  }
0x14: {  	s2 =	sld [smem:$0x3F9C];
	s0 =	simm.s32 @p1 $0x1  }
0x15: {  	[smem:$0x3FB9] =	sst s0;
	s0 =	simm.s32 @!p2 $0x0  }
0x16: {  	s3 =	sld [smem:$0x3FDB];
	s0 =	simm.s32 @p2 $0x1  }
0x17: {  	s4 =	simm.s32 $0x1BF5;
	[smem:$0x3FBB] =	sst s0  }
0x18: {  	s0 =	sld [smem:$0x3F9E];
	_ =	swait.ge [sflag:s4], $0x0  }
0x19: {  	s7 =	sld [smem:$0x3F9F]  }
0x1a: {  	s8 =	sadd.s32 $0xFFFFE003, lr  }
0x1b: {  	s9 =	sadd.s32 $0xFFFFFEF7, lr;
	s5 =	simm.s32 $0xFFFFFFFF;
	p2 =	slt.u32 s8, $0xFFFFF086  }
0x1c: {  	p1 =	slt.u32 s9, $0xF7A;
	s5 =	simm.s32 @!p2 $0x0  }
0x1d: {  	s5 =	simm.s32 @p1 $0x1;
	p0 =	seq.s32 s7, s2  }
0x1e: {  	s7 =	smul.u32 @!p0 $0xF7A, s2;
	p2 =	seq.s32 @!p0 s5, $0x0  }
0x1f: {  	s9 =	smul.u32 $0xF7A, s1;
	s8 =	simm.s32 @!p0 $0x1BF5;
	p2 =	por !p2, p0  }
0x20: {  	[sflag:s8] =	ssyncset.s32 @!p0 $0xFFFFF086;
	s6 =	sadd.s32 @!p0 s3, s7;
	s7 =	simm.s32 @!p0 $0x108  }
0x21: {  	s3 =	sadd.s32 s3, s9;
	s6 =	sadd.s32 @!p0 $0x88, s6;
	s7 =	simm.s32 @p2 $0x1082  }
0x22: {  	[simem:s7], [sflag:s8] =	dma.local @!p0 [hbm:s6], $0xF7A  }
0x23: {  	s9 =	sor.u32 $0xD0000000, s2;
	s6 =	simm.s32 $0x108;
	_ =	swait.ge @!p0 [sflag:s8], $0x0  }
0x24: {  	s3 =	sadd.s32 $0x88, s3;
	s6 =	simm.s32 @!p1 $0x1082;
	[sflag:s4] =	ssyncset.s32 $0xFFFFF086  }
0x25: {  	[simem:s6], [sflag:s4] =	dma.local [hbm:s3], $0xF7A  }
0x26: {  	[smem:$0x3F9F] =	sst s1;
	(tag) =	ssettag s2;
	_ =	strace s9  }
0x27: {  	s1 =	sld [smem:$0x3FAF]  }
0x28: {  	s2 =	sld [smem:$0x3FB0]  }
0x29: {  	s4 =	sld [smem:$0x3FB2]  }
0x2a: {  	p0 =	seq.s32 s5, $0x0;
	s5 =	sld [smem:$0x3FB3]  }
0x2b: {  	s6 =	sld [smem:$0x3FB4]  }
0x2c: {  	s7 =	sld [smem:$0x3FB5]  }
0x2d: {  	s3 =	simm.s32 $0x108;
	s8 =	sld [smem:$0x3FB6]  }
0x2e: {  	s3 =	simm.s32 @!p0 $0x1082;
	s9 =	sld [smem:$0x3FB7]  }
0x2f: {  	lr =	sadd.s32 s0, s3;
	s0 =	sld [smem:$0x3FAE]  }
0x30: {  	s3 =	sld [smem:$0x3FB1]  }
0x31: {  	[smem:$0x3FBA] =	sst s10  }
0x32: {  	s10 =	sld [smem:$0x3FB8];
	_ =	sdelay $0x3  }
0x33: {  	p0 =	seq.s32 s10, $0x1;
	s10 =	sld [smem:$0x3FBA];
	_ =	sdelay $0x3  }
0x34: {  	[smem:$0x3FBA] =	sst s10  }
0x35: {  	s10 =	sld [smem:$0x3FB9];
	_ =	sdelay $0x3  }
0x36: {  	p1 =	seq.s32 s10, $0x1;
	s10 =	sld [smem:$0x3FBA];
	_ =	sdelay $0x3  }
0x37: {  	[smem:$0x3FBA] =	sst s10  }
0x38: {  	s10 =	sld [smem:$0x3FBB]  }
0x39: {  	_ = 	snop;
	(pc) =	sbr.ind lr, $3  }
0x3a: {  	_ = 	snop  }
0x3b: {  	_ = 	snop  }
0x3c: {  	p2 =	seq.s32 s10, $0x1;
	s10 =	sld [smem:$0x3FBA]  }
0x3d: {  	_ =	shalt  }
0x3e: {  	_ =	shalt  }
0x3f: {  	_ =	shalt  }
0x40: {  	_ =	shalt  }
0x41: {  	_ =	shalt  }
0x42: {  	_ =	shalt  }
0x43: {  	_ =	shalt  }
0x44: {  	_ =	shalt  }
0x45: {  	_ =	shalt  }
0x46: {  	_ =	shalt  }
0x47: {  	_ =	shalt  }
0x48: {  	_ =	shalt  }
0x49: {  	_ =	shalt  }
0x4a: {  	_ =	shalt  }
0x4b: {  	_ =	shalt  }
0x4c: {  	_ =	shalt  }
0x4d: {  	_ =	shalt  }
0x4e: {  	_ =	shalt  }
0x4f: {  	_ =	shalt  }
0x50: {  	_ =	shalt  }
0x51: {  	_ =	shalt  }
0x52: {  	_ =	shalt  }
0x53: {  	_ =	shalt  }
0x54: {  	_ =	shalt  }
0x55: {  	_ =	shalt  }
0x56: {  	_ =	shalt  }
0x57: {  	_ =	shalt  }
0x58: {  	_ =	shalt  }
0x59: {  	_ =	shalt  }
0x5a: {  	_ =	shalt  }
0x5b: {  	_ =	shalt  }
0x5c: {  	_ =	shalt  }
0x5d: {  	_ =	shalt  }
0x5e: {  	_ =	shalt  }
0x5f: {  	_ =	shalt  }
0x60: {  	_ =	shalt  }
0x61: {  	_ =	shalt  }
0x62: {  	_ =	shalt  }
0x63: {  	_ =	shalt  }
0x64: {  	_ =	shalt  }
0x65: {  	_ =	shalt  }
0x66: {  	_ =	shalt  }
0x67: {  	_ =	shalt  }
0x68: {  	_ =	shalt  }
0x69: {  	_ =	shalt  }
0x6a: {  	_ =	shalt  }
0x6b: {  	_ =	shalt  }
0x6c: {  	_ =	shalt  }
0x6d: {  	_ =	shalt  }
0x6e: {  	_ =	shalt  }
0x6f: {  	_ =	shalt  }
0x70: {  	_ =	shalt  }
0x71: {  	_ =	shalt  }
0x72: {  	_ =	shalt  }
0x73: {  	_ =	shalt  }
0x74: {  	_ =	shalt  }
0x75: {  	_ =	shalt  }
0x76: {  	_ =	shalt  }
0x77: {  	_ =	shalt  }
0x78: {  	_ =	shalt  }
0x79: {  	_ =	shalt  }
0x7a: {  	_ =	shalt  }
0x7b: {  	_ =	shalt  }
0x7c: {  	_ =	shalt  }
0x7d: {  	_ =	shalt  }
0x7e: {  	_ =	shalt  }
0x7f: {  	_ =	shalt  }
0x80: {  	_ =	shalt  }
0x81: {  	_ =	shalt  }
0x82: {  	_ =	shalt  }
0x83: {  	_ =	shalt  }
0x84: {  	_ =	shalt  }
0x85: {  	_ =	shalt  }
0x86: {  	_ =	shalt  }
0x87: {  	_ =	shalt  }
.Lfunc_end0:
.L_simem_size_0:
called_computation.1_lowered:
.L_overlay_start_0:
0x88: {  	s2 =	sld [smem:$0x3FD9]  }
0x89: {  	s3 =	sld [smem:$0x3FFE];
	_ =	sdelay $0x1  }
0x8a: {  	s1 =	srdreg.scid  }
0x8b: {  	s0 =	sand.u32 $0x1, s1  }
0x8c: {  	s17 =	sshll.u32 s0, $0xA;
	s2 =	sadd.s32 s3, s2  }
0x8d: {  	s2 =	sadd.s32 s2, s17  }
0x8e: {  	[smem:$0x3FC6] =	sst s2  }
0x8f: {  	_ = 	snop  }
0x90: {  	s2 =	sld [smem:$0x3FD0];
	(tm) =	ssettm $0x1  }
0x91: {  	s18 =	sld [smem:$0x3FFB];
	_ =	sdelay $0x3  }
0x92: {  	_ =	strace s18  }
0x93: {  	s3 =	sld [smem:$0x3FFC];
	_ =	sdelay $0x3  }
0x94: {  	_ =	strace s3  }
0x95: {  	s3 =	sld [smem:$0x3FFD];
	_ =	sdelay $0x3  }
0x96: {  	_ =	strace s3  }
0x97: {  	_ =	strace $0x8FFFFFFF  }
0x98: {  	s19 =	sld [smem:$0x3FDB];
	_ =	sdelay $0x1  }
0x99: {  	s4 =	simm.s32 $_scs_section_size  }
0x9a: {  	s5 =	simm.s32 $_size__tile_overlayer_lowered;
	s6 =	simm.s32 $_tile_overlayer_lowered  }
0x9b: {  	s22 =	simm.s32 $0x1BFF;
	s21 =	sshll.u32 s6, $0x1;
	s3 =	sadd.s32 s4, s19  }
0x9c: {  	s7 =	simm.s32 $0x0;
	s20 =	sshll.u32 s5, $0x1;
	s5 =	sadd.s32 s21, s3  }
0x9d: {  	[timem:s7], [sflag:s22] =	dma.local [hbm:s5], s20  }
0x9e: {  	_ =	swait.ge [sflag:s22], s20  }
0x9f: {  	s4 =	ssub.s32 $0x0, s20;
	[sflag:s22] =	ssyncset.done $0x0  }
0xa0: {  	[sflag:s22] =	ssyncadd.s32 s4;
	_ =	sdelay $0x1  }
0xa1: {  	s23 =	simm.s32 $0x1B8B  }
0xa2: {  	_ =	swait.ge [sflag:s23], $0x1  }
0xa3: {  	[sflag:s23] =	ssyncset.done $0x0  }
0xa4: {  	s25 =	simm.s32 $0x1B8E;
	s24 =	sld [smem:$0x3FFE];
	[sflag:s23] =	ssyncadd.s32 $0xFFFFFFFF  }
0xa5: {  	s26 =	simm.s32 $execute0_lowered;
	[smem:$0x3FD2] =	sst s25  }
0xa6: {  	s5 =	sshll.u32 s26, $0x1;
	_ =	strace $0x80000046;
	[dreg:$0x1] =	wrdreg $0xFFFFFFFF  }
0xa7: {  	s28 =	simm.s32 $_size_execute0_lowered;
	s3 =	sadd.s32 s3, s5;
	[dreg:$0x0] =	wrdreg $0x0  }
0xa8: {  	s5 =	sshll.u32 s28, $0x1;
	[dreg:$0x2] =	wrdreg s3  }
0xa9: {  	[dreg:$0x3] =	wrdreg s5  }
0xaa: {  	[dreg:$0x4] =	wrdreg $0xC0  }
0xab: {  	_ =	task [dreg:s7], $0x5FFFF  }
0xac: {  	[dreg:$0x1] =	wrdreg $0xFFFFFFFF  }
0xad: {  	[dreg:$0x0] =	wrdreg $0x60  }
0xae: {  	[dreg:$0x2] =	wrdreg s24  }
0xaf: {  	[dreg:$0x3] =	wrdreg s2  }
0xb0: {  	[dreg:$0x4] =	wrdreg $0x9  }
0xb1: {  	_ =	task.clear_ibuf [dreg:s7], $0x5FFFF;
	_ =	strace $0x90000046  }
0xb2: {  	s29 =	simm.s32 $0x9;
	_ =	strace $0x80000048  }
0xb3: {  	_ =	swait.ge [sflag:s29], $0x1  }
0xb4: {  	[sflag:s29] =	ssyncadd.s32 $0xFFFFFFFF  }
0xb5: {  	_ =	strace $0x90000048  }
0xb6: {  	_ =	sfence  }
0xb7: {  	s30 =	sld [smem:$0x0];
	_ =	sdelay $0x2  }
0xb8: {  	s31 =	sshll.u32 s1, $0xD;
	s1 =	sshrl.u32 s1, $0x2  }
0xb9: {  	s3 =	sand.u32 $0x4000, s31;
	s1 =	sadd.s32 s1, s30  }
0xba: {  	s0 =	sor.u32 s3, s0;
	s1 =	sshll.u32 s1, $0x11  }
0xbb: {  	s0 =	sor.u32 s1, s0  }
0xbc: {  	s0 =	sadd.s32 $0x8F2B, s0  }
0xbd: {  	[sflag:s0] =	ssyncadd.remote.s32 $0x1  }
0xbe: {  	_ =	sfence.sel $0xFFFF  }
0xbf: {  	[dreg:$0x0] =	wrdreg $0xFFFFFFFF;
	(pc) =	sbr.abs _section_cstart, $3  }
0xc0: {  	[dreg:$0x1] =	wrdreg $0xFFFFFFFF  }
0xc1: {  	_ =	task.clear_ibuf [dreg:s7], $0x2FFFF;
	_ =	strace $0x9FFFFFFF  }
0xc2: {  	(tm) =	ssettm $0x7FFFFFFF  }
0xc3: {  	_ =	shalt  }
tec
execute0_lowered:
.L_overlay_start_1:
0x0: {  	(tag) =	ssettag $0x1  }
0x1: {  	s4 =	rddreg [dreg:$0x0];
	s1 =	srdreg.scid  }
0x2: {  	s0 =	stileid.u32;
	s2 =	rddreg [dreg:$0x1];
	s3 =	simm.s32 $0x0  }
0x3: {  	s9 =	simm.s32 $0x100;
	s10 =	simm.s32 $0x6400;
	s11 =	simm.s32 $0xA400  }
0x4: {  	s12 =	simm.s32 $0x1;
	s13 =	simm.s32 $0xE400;
	s14 =	simm.s32 $0x2  }
0x5: {  	s15 =	simm.s32 $0x12400;
	s5 =	sand.u32 $0x1, s1;
	s6 =	sshll.u32 s0, $0x1  }
0x6: {  	s16 =	simm.s32 $0x0;
	s1 =	rddreg [dreg:$0x2];
	s6 =	sor.u32 s5, s6  }
0x7: {  	[smem:$0x7FF] =	sst s3;
	s5 =	ssub.s32 $0x2, s5;
	s7 =	smul.u32 $0xC80, s6  }
0x8: {  	_ =	strace $0x80000047;
	s8 =	sshrl.u32 s5, $0x1;
	s6 =	smul.u32 $0x190000, s6  }
0x9: {  	s8 =	ssub.s32 s5, s8;
	s7 =	sadd.s32 s7, s4;
	s4 =	sadd.s32 $0xF42E00, s4  }
0xa: {  	s5 =	sadd.s32 $0xA00, s7;
	s7 =	smax.u32 s8, $0x1;
	s8 =	simm.s32 $0x3  }
.LBB2_1:
0xb: {  	[tilespmem:s3], [sflag:$0x3] =	stream.linear.gather [hbm4b:s5+s3], $0x6400, $0x38;
	[tilespmem:$0x16400] =	vst v63  }
0xc: {  	_ =	swait.ge [sflag:s8], $0x6400  }
0xd: {  	[sflag:s8] =	ssyncset.done $0x0  }
0xe: {  	s17 =	simm.s32 $0x0;
	[sflag:s8] =	ssyncadd.s32 $0xFFFF9C00  }
0xf: {  	[tilespmem:s10], [sflag:$0x1] =	stream.indirect.gather [hbm4b:s4+s9], $0x40, s3, s9, $0xb8;
	[tilespmem:$0x16400] =	vst v63  }
.LBB2_2:
0x10: {  	s18 =	sshllo.u32 s17, $0x1  }
0x11: {  	s19 =	sshll.u32 s18, $0x8  }
0x12: {  	s19 =	sand.u32 $0x3FFFFF00, s19  }
0x13: {  	[tilespmem:s11], [sflag:$0x2] =	stream.indirect.gather [hbm4b:s4+s9], $0x40, s19, s9, $0xb8;
	[tilespmem:$0x16400] =	vst v63  }
0x14: {  	_ =	swait.ge [sflag:s12], $0x4000  }
0x15: {  	[sflag:s12] =	ssyncset.done $0x0  }
0x16: {  	s19 =	simm.s32 $0x0;
	[sflag:s12] =	ssyncadd.s32 $0xFFFFC000  }
0x17: {  	v0 =	vld [tilespmem:s19+$0x65F0]  }
0x18: {  	v1 =	vld [tilespmem:s19+$0x6400];
	_ =	sdelay $0x1  }
0x19: {  	v2 =	vld [tilespmem:s19+$0x6440]  }
0x1a: {  	v3 =	vld [tilespmem:s19+$0x6410]  }
0x1b: {  	v4 =	vld [tilespmem:s19+$0x6450];
	v0 =	vmul.f32 $8.000000000e+00, v0  }
0x1c: {  	v5 =	vld [tilespmem:s19+$0x6420];
	v1 =	vmul.f32 $8.000000000e+00, v1  }
0x1d: {  	v6 =	vld [tilespmem:s19+$0x6460];
	[tilespmem:s19+$0xE5F0] =	vst v0  }
0x1e: {  	v0 =	vmul.f32 $8.000000000e+00, v2;
	[tilespmem:s19+$0xE400] =	vst v1;
	v1 =	vld [tilespmem:s19+$0x6470]  }
0x1f: {  	v7 =	vld [tilespmem:s19+$0x6430];
	v2 =	vmul.f32 $8.000000000e+00, v3  }
0x20: {  	v3 =	vmul.f32 $8.000000000e+00, v4;
	[tilespmem:s19+$0xE440] =	vst v0;
	v0 =	vld [tilespmem:s19+$0x6480]  }
0x21: {  	v4 =	vmul.f32 $8.000000000e+00, v5;
	[tilespmem:s19+$0xE410] =	vst v2;
	v2 =	vld [tilespmem:s19+$0x64C0]  }
0x22: {  	v5 =	vmul.f32 $8.000000000e+00, v6;
	[tilespmem:s19+$0xE450] =	vst v3;
	v3 =	vld [tilespmem:s19+$0x6490]  }
0x23: {  	[tilespmem:s19+$0xE420] =	vst v4;
	v4 =	vld [tilespmem:s19+$0x64D0];
	v1 =	vmul.f32 $8.000000000e+00, v1  }
0x24: {  	v6 =	vmul.f32 $8.000000000e+00, v7;
	[tilespmem:s19+$0xE460] =	vst v5;
	v5 =	vld [tilespmem:s19+$0x64A0]  }
0x25: {  	v0 =	vmul.f32 $8.000000000e+00, v0;
	[tilespmem:s19+$0xE470] =	vst v1;
	v1 =	vld [tilespmem:s19+$0x64B0]  }
0x26: {  	[tilespmem:s19+$0xE430] =	vst v6;
	v6 =	vld [tilespmem:s19+$0x64E0];
	v2 =	vmul.f32 $8.000000000e+00, v2  }
0x27: {  	v3 =	vmul.f32 $8.000000000e+00, v3;
	[tilespmem:s19+$0xE480] =	vst v0;
	v0 =	vld [tilespmem:s19+$0x64F0]  }
0x28: {  	v4 =	vmul.f32 $8.000000000e+00, v4;
	[tilespmem:s19+$0xE4C0] =	vst v2;
	v2 =	vld [tilespmem:s19+$0x6500]  }
0x29: {  	v5 =	vmul.f32 $8.000000000e+00, v5;
	[tilespmem:s19+$0xE490] =	vst v3;
	v3 =	vld [tilespmem:s19+$0x6540]  }
0x2a: {  	[tilespmem:s19+$0xE4D0] =	vst v4;
	v4 =	vld [tilespmem:s19+$0x6510];
	v1 =	vmul.f32 $8.000000000e+00, v1  }
0x2b: {  	v6 =	vmul.f32 $8.000000000e+00, v6;
	[tilespmem:s19+$0xE4A0] =	vst v5;
	v5 =	vld [tilespmem:s19+$0x6550]  }
0x2c: {  	v0 =	vmul.f32 $8.000000000e+00, v0;
	[tilespmem:s19+$0xE4B0] =	vst v1;
	v1 =	vld [tilespmem:s19+$0x6560]  }
0x2d: {  	[tilespmem:s19+$0xE4E0] =	vst v6;
	v6 =	vld [tilespmem:s19+$0x6520];
	v2 =	vmul.f32 $8.000000000e+00, v2  }
0x2e: {  	[tilespmem:s19+$0xE4F0] =	vst v0;
	v0 =	vmul.f32 $8.000000000e+00, v3;
	v3 =	vld [tilespmem:s19+$0x6570]  }
0x2f: {  	v7 =	vld [tilespmem:s19+$0x6530];
	[tilespmem:s19+$0xE500] =	vst v2;
	v2 =	vmul.f32 $8.000000000e+00, v4  }
0x30: {  	v4 =	vld [tilespmem:s19+$0x6580];
	[tilespmem:s19+$0xE540] =	vst v0;
	v0 =	vmul.f32 $8.000000000e+00, v5  }
0x31: {  	v8 =	vld [tilespmem:s19+$0x65C0];
	[tilespmem:s19+$0xE510] =	vst v2;
	v5 =	vmul.f32 $8.000000000e+00, v1  }
0x32: {  	v2 =	vmul.f32 $8.000000000e+00, v6;
	[tilespmem:s19+$0xE550] =	vst v0;
	v0 =	vld [tilespmem:s19+$0x6590]  }
0x33: {  	v1 =	vld [tilespmem:s19+$0x65D0];
	[tilespmem:s19+$0xE560] =	vst v5;
	v5 =	vmul.f32 $8.000000000e+00, v3  }
0x34: {  	v6 =	vmul.f32 $8.000000000e+00, v7;
	[tilespmem:s19+$0xE520] =	vst v2;
	v2 =	vld [tilespmem:s19+$0x65A0]  }
0x35: {  	v3 =	vld [tilespmem:s19+$0x65E0];
	[tilespmem:s19+$0xE570] =	vst v5;
	v5 =	vmul.f32 $8.000000000e+00, v4  }
0x36: {  	s20 =	simm.s32 $0x200;
	s21 =	simm.s32 $0x1000;
	[tilespmem:s19+$0xE530] =	vst v6;
	v6 =	vmul.f32 $8.000000000e+00, v8;
	v4 =	vld [tilespmem:s19+$0x65B0]  }
.LBB2_3:
0x37: {  	p0 =	sne.s32 s21, $0xF800;
	v7 =	vld [tilespmem:s20+$0x65F0];
	[tilespmem:s19+$0xE580] =	vst v5;
	v0 =	vmul.f32 $8.000000000e+00, v0  }
0x38: {  	v5 =	vld [tilespmem:s20+$0x6400];
	[tilespmem:s19+$0xE5C0] =	vst v6;
	v1 =	vmul.f32 $8.000000000e+00, v1  }
0x39: {  	v6 =	vld [tilespmem:s20+$0x6440];
	[tilespmem:s19+$0xE590] =	vst v0;
	v0 =	vmul.f32 $8.000000000e+00, v2  }
0x3a: {  	v2 =	vld [tilespmem:s20+$0x6410];
	[tilespmem:s19+$0xE5D0] =	vst v1;
	v1 =	vmul.f32 $8.000000000e+00, v3  }
0x3b: {  	v3 =	vld [tilespmem:s20+$0x6450];
	[tilespmem:s19+$0xE5A0] =	vst v0;
	v0 =	vmul.f32 $8.000000000e+00, v4  }
0x3c: {  	v4 =	vld [tilespmem:s20+$0x6420];
	v7 =	vmul.f32 $8.000000000e+00, v7;
	[tilespmem:s19+$0xE5E0] =	vst v1  }
0x3d: {  	v1 =	vmul.f32 $8.000000000e+00, v5;
	v5 =	vld [tilespmem:s20+$0x6460];
	[tilespmem:s19+$0xE5B0] =	vst v0;
	s19 =	smov.u32 s20  }
0x3e: {  	v0 =	vmul.f32 $8.000000000e+00, v6;
	v6 =	vld [tilespmem:s19+$0x6430];
	[tilespmem:s19+$0xE5F0] =	vst v7  }
0x3f: {  	[tilespmem:s19+$0xE400] =	vst v1;
	v1 =	vmul.f32 $8.000000000e+00, v2;
	v2 =	vld [tilespmem:s19+$0x6470]  }
0x40: {  	[tilespmem:s19+$0xE440] =	vst v0;
	v0 =	vmul.f32 $8.000000000e+00, v3;
	v3 =	vld [tilespmem:s19+$0x6480]  }
0x41: {  	[tilespmem:s19+$0xE410] =	vst v1;
	v1 =	vmul.f32 $8.000000000e+00, v4;
	v4 =	vld [tilespmem:s19+$0x64C0]  }
0x42: {  	[tilespmem:s19+$0xE450] =	vst v0;
	v0 =	vmul.f32 $8.000000000e+00, v5;
	v5 =	vld [tilespmem:s19+$0x6490]  }
0x43: {  	[tilespmem:s19+$0xE420] =	vst v1;
	v1 =	vmul.f32 $8.000000000e+00, v6;
	v6 =	vld [tilespmem:s19+$0x64D0]  }
0x44: {  	[tilespmem:s19+$0xE460] =	vst v0;
	v0 =	vmul.f32 $8.000000000e+00, v2;
	v2 =	vld [tilespmem:s19+$0x64A0]  }
0x45: {  	[tilespmem:s19+$0xE430] =	vst v1;
	v1 =	vmul.f32 $8.000000000e+00, v3;
	v3 =	vld [tilespmem:s19+$0x64E0]  }
0x46: {  	[tilespmem:s19+$0xE470] =	vst v0;
	v0 =	vmul.f32 $8.000000000e+00, v4;
	v4 =	vld [tilespmem:s19+$0x64B0]  }
0x47: {  	[tilespmem:s19+$0xE480] =	vst v1;
	v1 =	vmul.f32 $8.000000000e+00, v5;
	v5 =	vld [tilespmem:s19+$0x64F0]  }
0x48: {  	[tilespmem:s19+$0xE4C0] =	vst v0;
	v0 =	vmul.f32 $8.000000000e+00, v6;
	v6 =	vld [tilespmem:s19+$0x6500]  }
0x49: {  	[tilespmem:s19+$0xE490] =	vst v1;
	v1 =	vmul.f32 $8.000000000e+00, v2;
	v2 =	vld [tilespmem:s19+$0x6540]  }
0x4a: {  	[tilespmem:s19+$0xE4D0] =	vst v0;
	v0 =	vmul.f32 $8.000000000e+00, v3;
	v3 =	vld [tilespmem:s19+$0x6510]  }
0x4b: {  	[tilespmem:s19+$0xE4A0] =	vst v1;
	v1 =	vmul.f32 $8.000000000e+00, v4;
	v4 =	vld [tilespmem:s19+$0x6550]  }
0x4c: {  	[tilespmem:s19+$0xE4E0] =	vst v0;
	v0 =	vmul.f32 $8.000000000e+00, v5;
	v5 =	vld [tilespmem:s19+$0x6520]  }
0x4d: {  	[tilespmem:s19+$0xE4B0] =	vst v1;
	v1 =	vmul.f32 $8.000000000e+00, v6;
	v6 =	vld [tilespmem:s19+$0x6560]  }
0x4e: {  	[tilespmem:s19+$0xE4F0] =	vst v0;
	v0 =	vmul.f32 $8.000000000e+00, v2;
	v2 =	vld [tilespmem:s19+$0x6530]  }
0x4f: {  	[tilespmem:s19+$0xE500] =	vst v1;
	v1 =	vmul.f32 $8.000000000e+00, v3;
	v3 =	vld [tilespmem:s19+$0x6570]  }
0x50: {  	[tilespmem:s19+$0xE540] =	vst v0;
	v0 =	vmul.f32 $8.000000000e+00, v4;
	v4 =	vld [tilespmem:s19+$0x6580]  }
0x51: {  	[tilespmem:s19+$0xE510] =	vst v1;
	v1 =	vmul.f32 $8.000000000e+00, v5;
	v7 =	vld [tilespmem:s19+$0x65C0]  }
.Ltmp0:
0x52: {  	[tilespmem:s19+$0xE550] =	vst v0;
	v5 =	vmul.f32 $8.000000000e+00, v6;
	v0 =	vld [tilespmem:s19+$0x6590];
	(pc) =	sbr.rel @p0 .LBB2_3-.Ltmp0, $4  }
0x53: {  	[tilespmem:s19+$0xE520] =	vst v1;
	v6 =	vmul.f32 $8.000000000e+00, v2;
	v1 =	vld [tilespmem:s19+$0x65D0]  }
0x54: {  	[tilespmem:s19+$0xE560] =	vst v5;
	v8 =	vmul.f32 $8.000000000e+00, v3;
	v2 =	vld [tilespmem:s19+$0x65A0]  }
0x55: {  	[tilespmem:s19+$0xE530] =	vst v6;
	v5 =	vmul.f32 $8.000000000e+00, v4;
	v3 =	vld [tilespmem:s19+$0x65E0]  }
0x56: {  	s20 =	sshra.s32 s21, $0x2;
	s21 =	sadd.s32 $0x800, s21;
	[tilespmem:s19+$0xE570] =	vst v8;
	v6 =	vmul.f32 $8.000000000e+00, v7;
	v4 =	vld [tilespmem:s19+$0x65B0]  }
0x57: {  	v7 =	vld [tilespmem:s20+$0x65F0];
	[tilespmem:s19+$0xE580] =	vst v5;
	v0 =	vmul.f32 $8.000000000e+00, v0  }
0x58: {  	v5 =	vld [tilespmem:s20+$0x6400];
	[tilespmem:s19+$0xE5C0] =	vst v6;
	v1 =	vmul.f32 $8.000000000e+00, v1  }
0x59: {  	v6 =	vld [tilespmem:s20+$0x6440];
	[tilespmem:s19+$0xE590] =	vst v0;
	v2 =	vmul.f32 $8.000000000e+00, v2  }
0x5a: {  	v0 =	vld [tilespmem:s20+$0x6410];
	[tilespmem:s19+$0xE5D0] =	vst v1;
	v3 =	vmul.f32 $8.000000000e+00, v3  }
0x5b: {  	v1 =	vld [tilespmem:s20+$0x6450];
	[tilespmem:s19+$0xE5A0] =	vst v2;
	v4 =	vmul.f32 $8.000000000e+00, v4  }
0x5c: {  	v2 =	vld [tilespmem:s20+$0x6420];
	[tilespmem:s19+$0xE5E0] =	vst v3;
	v7 =	vmul.f32 $8.000000000e+00, v7  }
0x5d: {  	v3 =	vld [tilespmem:s20+$0x6460];
	[tilespmem:s19+$0xE5B0] =	vst v4;
	v4 =	vmul.f32 $8.000000000e+00, v5  }
0x5e: {  	v5 =	vld [tilespmem:s20+$0x6430];
	[tilespmem:s20+$0xE5F0] =	vst v7;
	v6 =	vmul.f32 $8.000000000e+00, v6  }
0x5f: {  	[tilespmem:s20+$0xE400] =	vst v4;
	v4 =	vld [tilespmem:s20+$0x6470];
	v0 =	vmul.f32 $8.000000000e+00, v0  }
0x60: {  	[tilespmem:s20+$0xE440] =	vst v6;
	v6 =	vld [tilespmem:s20+$0x6480];
	v1 =	vmul.f32 $8.000000000e+00, v1  }
0x61: {  	[tilespmem:s20+$0xE410] =	vst v0;
	v0 =	vld [tilespmem:s20+$0x64C0];
	v2 =	vmul.f32 $8.000000000e+00, v2  }
0x62: {  	[tilespmem:s20+$0xE450] =	vst v1;
	v1 =	vld [tilespmem:s20+$0x6490];
	v3 =	vmul.f32 $8.000000000e+00, v3  }
0x63: {  	[tilespmem:s20+$0xE420] =	vst v2;
	v2 =	vld [tilespmem:s20+$0x64D0];
	v5 =	vmul.f32 $8.000000000e+00, v5  }
0x64: {  	[tilespmem:s20+$0xE460] =	vst v3;
	v3 =	vld [tilespmem:s20+$0x64A0];
	v4 =	vmul.f32 $8.000000000e+00, v4  }
0x65: {  	[tilespmem:s20+$0xE430] =	vst v5;
	v5 =	vld [tilespmem:s20+$0x64E0];
	v6 =	vmul.f32 $8.000000000e+00, v6  }
0x66: {  	[tilespmem:s20+$0xE470] =	vst v4;
	v4 =	vld [tilespmem:s20+$0x64B0];
	v0 =	vmul.f32 $8.000000000e+00, v0  }
0x67: {  	[tilespmem:s20+$0xE480] =	vst v6;
	v6 =	vld [tilespmem:s20+$0x64F0];
	v1 =	vmul.f32 $8.000000000e+00, v1  }
0x68: {  	[tilespmem:s20+$0xE4C0] =	vst v0;
	v0 =	vld [tilespmem:s20+$0x6500];
	v2 =	vmul.f32 $8.000000000e+00, v2  }
0x69: {  	[tilespmem:s20+$0xE490] =	vst v1;
	v1 =	vld [tilespmem:s20+$0x6540];
	v3 =	vmul.f32 $8.000000000e+00, v3  }
0x6a: {  	[tilespmem:s20+$0xE4D0] =	vst v2;
	v2 =	vld [tilespmem:s20+$0x6510];
	v5 =	vmul.f32 $8.000000000e+00, v5  }
0x6b: {  	[tilespmem:s20+$0xE4A0] =	vst v3;
	v3 =	vld [tilespmem:s20+$0x6550];
	v4 =	vmul.f32 $8.000000000e+00, v4  }
0x6c: {  	[tilespmem:s20+$0xE4E0] =	vst v5;
	v5 =	vld [tilespmem:s20+$0x6520];
	v6 =	vmul.f32 $8.000000000e+00, v6  }
0x6d: {  	[tilespmem:s20+$0xE4B0] =	vst v4;
	v4 =	vld [tilespmem:s20+$0x6560];
	v0 =	vmul.f32 $8.000000000e+00, v0  }
0x6e: {  	[tilespmem:s20+$0xE4F0] =	vst v6;
	v6 =	vld [tilespmem:s20+$0x6530];
	v1 =	vmul.f32 $8.000000000e+00, v1  }
0x6f: {  	[tilespmem:s20+$0xE500] =	vst v0;
	v0 =	vld [tilespmem:s20+$0x6570];
	v2 =	vmul.f32 $8.000000000e+00, v2  }
0x70: {  	[tilespmem:s20+$0xE540] =	vst v1;
	v1 =	vld [tilespmem:s20+$0x6580];
	v3 =	vmul.f32 $8.000000000e+00, v3  }
0x71: {  	[tilespmem:s20+$0xE510] =	vst v2;
	v2 =	vld [tilespmem:s20+$0x65C0];
	v5 =	vmul.f32 $8.000000000e+00, v5  }
0x72: {  	[tilespmem:s20+$0xE550] =	vst v3;
	v3 =	vld [tilespmem:s20+$0x6590];
	v4 =	vmul.f32 $8.000000000e+00, v4  }
0x73: {  	[tilespmem:s20+$0xE520] =	vst v5;
	v5 =	vld [tilespmem:s20+$0x65D0];
	v6 =	vmul.f32 $8.000000000e+00, v6  }
0x74: {  	[tilespmem:s20+$0xE560] =	vst v4;
	v4 =	vld [tilespmem:s20+$0x65A0];
	v0 =	vmul.f32 $8.000000000e+00, v0  }
0x75: {  	[tilespmem:s20+$0xE530] =	vst v6;
	v6 =	vld [tilespmem:s20+$0x65E0];
	v1 =	vmul.f32 $8.000000000e+00, v1  }
0x76: {  	[tilespmem:s20+$0xE570] =	vst v0;
	v0 =	vmul.f32 $8.000000000e+00, v2;
	v2 =	vld [tilespmem:s20+$0x65B0]  }
0x77: {  	[tilespmem:s20+$0xE580] =	vst v1;
	v1 =	vmul.f32 $8.000000000e+00, v3  }
0x78: {  	[tilespmem:s20+$0xE5C0] =	vst v0;
	v0 =	vmul.f32 $8.000000000e+00, v5  }
0x79: {  	[tilespmem:s20+$0xE590] =	vst v1;
	v1 =	vmul.f32 $8.000000000e+00, v4  }
0x7a: {  	s31 =	sshll.u32 s17, $0xF;
	[tilespmem:s20+$0xE5D0] =	vst v0;
	v0 =	vmul.f32 $8.000000000e+00, v6  }
0x7b: {  	s19 =	sadd.s32 s6, s31;
	[tilespmem:s20+$0xE5A0] =	vst v1;
	v1 =	vmul.f32 $8.000000000e+00, v2  }
0x7c: {  	s19 =	sshrl.u32 s19, $0x3;
	[tilespmem:s20+$0xE5E0] =	vst v0  }
0x7d: {  	p0 =	seq.s32 s17, $0x31;
	s19 =	sadd.s32 s2, s19;
	[tilespmem:s20+$0xE5B0] =	vst v1  }
0x7e: {  	[hbm4b:s19+s3] =	stream.linear.scatter [tilespmem:s13], [sflag:$0x3], $0x4000, $0x38;
	[tilespmem:$0x16400] =	vst v63  }
0x7f: {  	s19 =	sshll.u32 @!p0 s17, $0x9;
	_ =	swait.ge [sflag:s8], $0x4000  }
0x80: {  	s21 =	simm.s32 @!p0 $0x6400;
	s19 =	sand.u32 @!p0 $0x3FFFFE00, s19;
	[sflag:s8] =	ssyncset.done $0x0  }
0x81: {  	s20 =	simm.s32 @!p0 $0x100;
	s19 =	sadd.s32 @!p0 $0x200, s19;
	[sflag:s8] =	ssyncadd.s32 $0xFFFFC000  }
0x82: {  	[tilespmem:s21], [sflag:$0x1] =	stream.indirect.gather @!p0 [hbm4b:s4+s20], $0x40, s19, s20, $0xb8;
	[tilespmem:$0x16400] =	vst v63  }
0x83: {  	_ =	swait.ge [sflag:s14], $0x4000  }
0x84: {  	[sflag:s14] =	ssyncset.done $0x0  }
0x85: {  	s19 =	simm.s32 $0x0;
	[sflag:s14] =	ssyncadd.s32 $0xFFFFC000  }
0x86: {  	v0 =	vld [tilespmem:s19+$0xA5F0]  }
0x87: {  	v1 =	vld [tilespmem:s19+$0xA400];
	_ =	sdelay $0x1  }
0x88: {  	v2 =	vld [tilespmem:s19+$0xA440]  }
0x89: {  	v3 =	vld [tilespmem:s19+$0xA410]  }
0x8a: {  	v4 =	vld [tilespmem:s19+$0xA450];
	v0 =	vmul.f32 $8.000000000e+00, v0  }
0x8b: {  	v5 =	vld [tilespmem:s19+$0xA420];
	v1 =	vmul.f32 $8.000000000e+00, v1  }
0x8c: {  	v6 =	vld [tilespmem:s19+$0xA460];
	[tilespmem:s19+$0x125F0] =	vst v0  }
0x8d: {  	v0 =	vmul.f32 $8.000000000e+00, v2;
	[tilespmem:s19+$0x12400] =	vst v1;
	v1 =	vld [tilespmem:s19+$0xA470]  }
0x8e: {  	v7 =	vld [tilespmem:s19+$0xA430];
	v2 =	vmul.f32 $8.000000000e+00, v3  }
0x8f: {  	v3 =	vmul.f32 $8.000000000e+00, v4;
	[tilespmem:s19+$0x12440] =	vst v0;
	v0 =	vld [tilespmem:s19+$0xA480]  }
0x90: {  	v4 =	vmul.f32 $8.000000000e+00, v5;
	[tilespmem:s19+$0x12410] =	vst v2;
	v2 =	vld [tilespmem:s19+$0xA4C0]  }
0x91: {  	v5 =	vmul.f32 $8.000000000e+00, v6;
	[tilespmem:s19+$0x12450] =	vst v3;
	v3 =	vld [tilespmem:s19+$0xA490]  }
0x92: {  	[tilespmem:s19+$0x12420] =	vst v4;
	v4 =	vld [tilespmem:s19+$0xA4D0];
	v1 =	vmul.f32 $8.000000000e+00, v1  }
0x93: {  	v6 =	vmul.f32 $8.000000000e+00, v7;
	[tilespmem:s19+$0x12460] =	vst v5;
	v5 =	vld [tilespmem:s19+$0xA4A0]  }
0x94: {  	v0 =	vmul.f32 $8.000000000e+00, v0;
	[tilespmem:s19+$0x12470] =	vst v1;
	v1 =	vld [tilespmem:s19+$0xA4B0]  }
0x95: {  	[tilespmem:s19+$0x12430] =	vst v6;
	v6 =	vld [tilespmem:s19+$0xA4E0];
	v2 =	vmul.f32 $8.000000000e+00, v2  }
0x96: {  	v3 =	vmul.f32 $8.000000000e+00, v3;
	[tilespmem:s19+$0x12480] =	vst v0;
	v0 =	vld [tilespmem:s19+$0xA4F0]  }
0x97: {  	v4 =	vmul.f32 $8.000000000e+00, v4;
	[tilespmem:s19+$0x124C0] =	vst v2;
	v2 =	vld [tilespmem:s19+$0xA500]  }
0x98: {  	v5 =	vmul.f32 $8.000000000e+00, v5;
	[tilespmem:s19+$0x12490] =	vst v3;
	v3 =	vld [tilespmem:s19+$0xA540]  }
0x99: {  	[tilespmem:s19+$0x124D0] =	vst v4;
	v4 =	vld [tilespmem:s19+$0xA510];
	v1 =	vmul.f32 $8.000000000e+00, v1  }
0x9a: {  	v6 =	vmul.f32 $8.000000000e+00, v6;
	[tilespmem:s19+$0x124A0] =	vst v5;
	v5 =	vld [tilespmem:s19+$0xA550]  }
0x9b: {  	v0 =	vmul.f32 $8.000000000e+00, v0;
	[tilespmem:s19+$0x124B0] =	vst v1;
	v1 =	vld [tilespmem:s19+$0xA560]  }
0x9c: {  	[tilespmem:s19+$0x124E0] =	vst v6;
	v6 =	vld [tilespmem:s19+$0xA520];
	v2 =	vmul.f32 $8.000000000e+00, v2  }
0x9d: {  	[tilespmem:s19+$0x124F0] =	vst v0;
	v0 =	vmul.f32 $8.000000000e+00, v3;
	v3 =	vld [tilespmem:s19+$0xA570]  }
0x9e: {  	v7 =	vld [tilespmem:s19+$0xA530];
	[tilespmem:s19+$0x12500] =	vst v2;
	v2 =	vmul.f32 $8.000000000e+00, v4  }
0x9f: {  	v4 =	vld [tilespmem:s19+$0xA580];
	[tilespmem:s19+$0x12540] =	vst v0;
	v0 =	vmul.f32 $8.000000000e+00, v5  }
0xa0: {  	v8 =	vld [tilespmem:s19+$0xA5C0];
	[tilespmem:s19+$0x12510] =	vst v2;
	v5 =	vmul.f32 $8.000000000e+00, v1  }
0xa1: {  	v2 =	vmul.f32 $8.000000000e+00, v6;
	[tilespmem:s19+$0x12550] =	vst v0;
	v0 =	vld [tilespmem:s19+$0xA590]  }
0xa2: {  	v1 =	vld [tilespmem:s19+$0xA5D0];
	[tilespmem:s19+$0x12560] =	vst v5;
	v5 =	vmul.f32 $8.000000000e+00, v3  }
0xa3: {  	v6 =	vmul.f32 $8.000000000e+00, v7;
	[tilespmem:s19+$0x12520] =	vst v2;
	v2 =	vld [tilespmem:s19+$0xA5A0]  }
0xa4: {  	v3 =	vld [tilespmem:s19+$0xA5E0];
	[tilespmem:s19+$0x12570] =	vst v5;
	v5 =	vmul.f32 $8.000000000e+00, v4  }
0xa5: {  	s20 =	simm.s32 $0x200;
	s21 =	simm.s32 $0x1000;
	[tilespmem:s19+$0x12530] =	vst v6;
	v6 =	vmul.f32 $8.000000000e+00, v8;
	v4 =	vld [tilespmem:s19+$0xA5B0]  }
.LBB2_5:
0xa6: {  	p0 =	sne.s32 s21, $0xF800;
	v7 =	vld [tilespmem:s20+$0xA5F0];
	[tilespmem:s19+$0x12580] =	vst v5;
	v0 =	vmul.f32 $8.000000000e+00, v0  }
0xa7: {  	v5 =	vld [tilespmem:s20+$0xA400];
	[tilespmem:s19+$0x125C0] =	vst v6;
	v1 =	vmul.f32 $8.000000000e+00, v1  }
0xa8: {  	v6 =	vld [tilespmem:s20+$0xA440];
	[tilespmem:s19+$0x12590] =	vst v0;
	v0 =	vmul.f32 $8.000000000e+00, v2  }
0xa9: {  	v2 =	vld [tilespmem:s20+$0xA410];
	[tilespmem:s19+$0x125D0] =	vst v1;
	v1 =	vmul.f32 $8.000000000e+00, v3  }
0xaa: {  	v3 =	vld [tilespmem:s20+$0xA450];
	[tilespmem:s19+$0x125A0] =	vst v0;
	v0 =	vmul.f32 $8.000000000e+00, v4  }
0xab: {  	v4 =	vld [tilespmem:s20+$0xA420];
	v7 =	vmul.f32 $8.000000000e+00, v7;
	[tilespmem:s19+$0x125E0] =	vst v1  }
0xac: {  	v1 =	vmul.f32 $8.000000000e+00, v5;
	v5 =	vld [tilespmem:s20+$0xA460];
	[tilespmem:s19+$0x125B0] =	vst v0;
	s19 =	smov.u32 s20  }
0xad: {  	v0 =	vmul.f32 $8.000000000e+00, v6;
	v6 =	vld [tilespmem:s19+$0xA430];
	[tilespmem:s19+$0x125F0] =	vst v7  }
0xae: {  	[tilespmem:s19+$0x12400] =	vst v1;
	v1 =	vmul.f32 $8.000000000e+00, v2;
	v2 =	vld [tilespmem:s19+$0xA470]  }
0xaf: {  	[tilespmem:s19+$0x12440] =	vst v0;
	v0 =	vmul.f32 $8.000000000e+00, v3;
	v3 =	vld [tilespmem:s19+$0xA480]  }
0xb0: {  	[tilespmem:s19+$0x12410] =	vst v1;
	v1 =	vmul.f32 $8.000000000e+00, v4;
	v4 =	vld [tilespmem:s19+$0xA4C0]  }
0xb1: {  	[tilespmem:s19+$0x12450] =	vst v0;
	v0 =	vmul.f32 $8.000000000e+00, v5;
	v5 =	vld [tilespmem:s19+$0xA490]  }
0xb2: {  	[tilespmem:s19+$0x12420] =	vst v1;
	v1 =	vmul.f32 $8.000000000e+00, v6;
	v6 =	vld [tilespmem:s19+$0xA4D0]  }
0xb3: {  	[tilespmem:s19+$0x12460] =	vst v0;
	v0 =	vmul.f32 $8.000000000e+00, v2;
	v2 =	vld [tilespmem:s19+$0xA4A0]  }
0xb4: {  	[tilespmem:s19+$0x12430] =	vst v1;
	v1 =	vmul.f32 $8.000000000e+00, v3;
	v3 =	vld [tilespmem:s19+$0xA4E0]  }
0xb5: {  	[tilespmem:s19+$0x12470] =	vst v0;
	v0 =	vmul.f32 $8.000000000e+00, v4;
	v4 =	vld [tilespmem:s19+$0xA4B0]  }
0xb6: {  	[tilespmem:s19+$0x12480] =	vst v1;
	v1 =	vmul.f32 $8.000000000e+00, v5;
	v5 =	vld [tilespmem:s19+$0xA4F0]  }
0xb7: {  	[tilespmem:s19+$0x124C0] =	vst v0;
	v0 =	vmul.f32 $8.000000000e+00, v6;
	v6 =	vld [tilespmem:s19+$0xA500]  }
0xb8: {  	[tilespmem:s19+$0x12490] =	vst v1;
	v1 =	vmul.f32 $8.000000000e+00, v2;
	v2 =	vld [tilespmem:s19+$0xA540]  }
0xb9: {  	[tilespmem:s19+$0x124D0] =	vst v0;
	v0 =	vmul.f32 $8.000000000e+00, v3;
	v3 =	vld [tilespmem:s19+$0xA510]  }
0xba: {  	[tilespmem:s19+$0x124A0] =	vst v1;
	v1 =	vmul.f32 $8.000000000e+00, v4;
	v4 =	vld [tilespmem:s19+$0xA550]  }
0xbb: {  	[tilespmem:s19+$0x124E0] =	vst v0;
	v0 =	vmul.f32 $8.000000000e+00, v5;
	v5 =	vld [tilespmem:s19+$0xA520]  }
0xbc: {  	[tilespmem:s19+$0x124B0] =	vst v1;
	v1 =	vmul.f32 $8.000000000e+00, v6;
	v6 =	vld [tilespmem:s19+$0xA560]  }
0xbd: {  	[tilespmem:s19+$0x124F0] =	vst v0;
	v0 =	vmul.f32 $8.000000000e+00, v2;
	v2 =	vld [tilespmem:s19+$0xA530]  }
0xbe: {  	[tilespmem:s19+$0x12500] =	vst v1;
	v1 =	vmul.f32 $8.000000000e+00, v3;
	v3 =	vld [tilespmem:s19+$0xA570]  }
0xbf: {  	[tilespmem:s19+$0x12540] =	vst v0;
	v0 =	vmul.f32 $8.000000000e+00, v4;
	v4 =	vld [tilespmem:s19+$0xA580]  }
0xc0: {  	[tilespmem:s19+$0x12510] =	vst v1;
	v1 =	vmul.f32 $8.000000000e+00, v5;
	v7 =	vld [tilespmem:s19+$0xA5C0]  }
.Ltmp1:
0xc1: {  	[tilespmem:s19+$0x12550] =	vst v0;
	v5 =	vmul.f32 $8.000000000e+00, v6;
	v0 =	vld [tilespmem:s19+$0xA590];
	(pc) =	sbr.rel @p0 .LBB2_5-.Ltmp1, $4  }
0xc2: {  	[tilespmem:s19+$0x12520] =	vst v1;
	v6 =	vmul.f32 $8.000000000e+00, v2;
	v1 =	vld [tilespmem:s19+$0xA5D0]  }
0xc3: {  	[tilespmem:s19+$0x12560] =	vst v5;
	v8 =	vmul.f32 $8.000000000e+00, v3;
	v2 =	vld [tilespmem:s19+$0xA5A0]  }
0xc4: {  	[tilespmem:s19+$0x12530] =	vst v6;
	v5 =	vmul.f32 $8.000000000e+00, v4;
	v3 =	vld [tilespmem:s19+$0xA5E0]  }
0xc5: {  	s20 =	sshra.s32 s21, $0x2;
	s21 =	sadd.s32 $0x800, s21;
	[tilespmem:s19+$0x12570] =	vst v8;
	v6 =	vmul.f32 $8.000000000e+00, v7;
	v4 =	vld [tilespmem:s19+$0xA5B0]  }
0xc6: {  	v7 =	vld [tilespmem:s20+$0xA5F0];
	[tilespmem:s19+$0x12580] =	vst v5;
	v0 =	vmul.f32 $8.000000000e+00, v0  }
0xc7: {  	v5 =	vld [tilespmem:s20+$0xA400];
	[tilespmem:s19+$0x125C0] =	vst v6;
	v1 =	vmul.f32 $8.000000000e+00, v1  }
0xc8: {  	v6 =	vld [tilespmem:s20+$0xA440];
	[tilespmem:s19+$0x12590] =	vst v0;
	v2 =	vmul.f32 $8.000000000e+00, v2  }
0xc9: {  	v0 =	vld [tilespmem:s20+$0xA410];
	[tilespmem:s19+$0x125D0] =	vst v1;
	v3 =	vmul.f32 $8.000000000e+00, v3  }
0xca: {  	v1 =	vld [tilespmem:s20+$0xA450];
	[tilespmem:s19+$0x125A0] =	vst v2;
	v4 =	vmul.f32 $8.000000000e+00, v4  }
0xcb: {  	v2 =	vld [tilespmem:s20+$0xA420];
	[tilespmem:s19+$0x125E0] =	vst v3;
	v7 =	vmul.f32 $8.000000000e+00, v7  }
0xcc: {  	v3 =	vld [tilespmem:s20+$0xA460];
	[tilespmem:s19+$0x125B0] =	vst v4;
	v32 =	vmul.f32 $8.000000000e+00, v5  }
0xcd: {  	v33 =	vld [tilespmem:s20+$0xA430];
	[tilespmem:s20+$0x125F0] =	vst v7;
	v6 =	vmul.f32 $8.000000000e+00, v6  }
0xce: {  	v34 =	vld [tilespmem:s20+$0xA470];
	[tilespmem:s20+$0x12400] =	vst v32;
	v0 =	vmul.f32 $8.000000000e+00, v0  }
0xcf: {  	v35 =	vld [tilespmem:s20+$0xA480];
	[tilespmem:s20+$0x12440] =	vst v6;
	v1 =	vmul.f32 $8.000000000e+00, v1  }
0xd0: {  	v36 =	vld [tilespmem:s20+$0xA4C0];
	[tilespmem:s20+$0x12410] =	vst v0;
	v2 =	vmul.f32 $8.000000000e+00, v2  }
0xd1: {  	v37 =	vld [tilespmem:s20+$0xA490];
	[tilespmem:s20+$0x12450] =	vst v1;
	v3 =	vmul.f32 $8.000000000e+00, v3  }
0xd2: {  	v38 =	vld [tilespmem:s20+$0xA4D0];
	[tilespmem:s20+$0x12420] =	vst v2;
	v5 =	vmul.f32 $8.000000000e+00, v33  }
0xd3: {  	v52 =	vld [tilespmem:s20+$0xA5C0];
	v4 =	vmul.f32 $8.000000000e+00, v34;
	[tilespmem:s20+$0x12460] =	vst v3  }
0xd4: {  	v53 =	vld [tilespmem:s20+$0xA590];
	v6 =	vmul.f32 $8.000000000e+00, v35;
	[tilespmem:s20+$0x12430] =	vst v5  }
0xd5: {  	v54 =	vld [tilespmem:s20+$0xA5D0];
	v0 =	vmul.f32 $8.000000000e+00, v36;
	[tilespmem:s20+$0x12470] =	vst v4  }
0xd6: {  	v55 =	vld [tilespmem:s20+$0xA5A0];
	v1 =	vmul.f32 $8.000000000e+00, v37;
	[tilespmem:s20+$0x12480] =	vst v6  }
0xd7: {  	v56 =	vld [tilespmem:s20+$0xA5E0];
	v2 =	vmul.f32 $8.000000000e+00, v38;
	[tilespmem:s20+$0x124C0] =	vst v0  }
0xd8: {  	v58 =	vld [tilespmem:s20+$0xA5B0];
	v57 =	vmul.f32 $8.000000000e+00, v52;
	[tilespmem:s20+$0x12490] =	vst v1  }
0xd9: {  	v39 =	vld [tilespmem:s20+$0xA4A0];
	v59 =	vmul.f32 $8.000000000e+00, v53;
	[tilespmem:s20+$0x124D0] =	vst v2  }
0xda: {  	v40 =	vld [tilespmem:s20+$0xA4E0];
	v60 =	vmul.f32 $8.000000000e+00, v54;
	[tilespmem:s20+$0x125C0] =	vst v57  }
0xdb: {  	v41 =	vld [tilespmem:s20+$0xA4B0];
	v61 =	vmul.f32 $8.000000000e+00, v55;
	[tilespmem:s20+$0x12590] =	vst v59  }
0xdc: {  	v42 =	vld [tilespmem:s20+$0xA4F0];
	v62 =	vmul.f32 $8.000000000e+00, v56;
	[tilespmem:s20+$0x125D0] =	vst v60  }
0xdd: {  	v43 =	vld [tilespmem:s20+$0xA500];
	v63 =	vmul.f32 $8.000000000e+00, v58;
	[tilespmem:s20+$0x125A0] =	vst v61  }
0xde: {  	v44 =	vld [tilespmem:s20+$0xA540];
	v3 =	vmul.f32 $8.000000000e+00, v39;
	[tilespmem:s20+$0x125E0] =	vst v62  }
0xdf: {  	v45 =	vld [tilespmem:s20+$0xA510];
	v5 =	vmul.f32 $8.000000000e+00, v40;
	[tilespmem:s20+$0x125B0] =	vst v63  }
0xe0: {  	v46 =	vld [tilespmem:s20+$0xA550];
	v4 =	vmul.f32 $8.000000000e+00, v41;
	[tilespmem:s20+$0x124A0] =	vst v3  }
0xe1: {  	v47 =	vld [tilespmem:s20+$0xA520];
	v6 =	vmul.f32 $8.000000000e+00, v42;
	[tilespmem:s20+$0x124E0] =	vst v5  }
0xe2: {  	v48 =	vld [tilespmem:s20+$0xA560];
	v0 =	vmul.f32 $8.000000000e+00, v43;
	[tilespmem:s20+$0x124B0] =	vst v4  }
0xe3: {  	v49 =	vld [tilespmem:s20+$0xA530];
	v1 =	vmul.f32 $8.000000000e+00, v44;
	[tilespmem:s20+$0x124F0] =	vst v6  }
0xe4: {  	v50 =	vld [tilespmem:s20+$0xA570];
	v2 =	vmul.f32 $8.000000000e+00, v45;
	[tilespmem:s20+$0x12500] =	vst v0  }
0xe5: {  	v51 =	vld [tilespmem:s20+$0xA580];
	v3 =	vmul.f32 $8.000000000e+00, v46;
	[tilespmem:s20+$0x12540] =	vst v1  }
0xe6: {  	[tilespmem:s20+$0x12510] =	vst v2;
	v5 =	vmul.f32 $8.000000000e+00, v47  }
0xe7: {  	v4 =	vmul.f32 $8.000000000e+00, v48;
	[tilespmem:s20+$0x12550] =	vst v3  }
0xe8: {  	v6 =	vmul.f32 $8.000000000e+00, v49;
	[tilespmem:s20+$0x12520] =	vst v5  }
0xe9: {  	s18 =	sshll.u32 s18, $0xE;
	v0 =	vmul.f32 $8.000000000e+00, v50;
	[tilespmem:s20+$0x12560] =	vst v4  }
0xea: {  	s17 =	sadd.s32 $0x1, s17;
	s18 =	sadd.s32 s6, s18;
	v1 =	vmul.f32 $8.000000000e+00, v51;
	[tilespmem:s20+$0x12530] =	vst v6  }
0xeb: {  	p0 =	sne.s32 s17, $0x32;
	s18 =	sshrl.u32 s18, $0x3;
	[tilespmem:s20+$0x12570] =	vst v0  }
.Ltmp2:
0xec: {  	s18 =	sadd.s32 s2, s18;
	[tilespmem:s20+$0x12580] =	vst v1;
	(pc) =	sbr.rel @p0 .LBB2_2-.Ltmp2, $4  }
0xed: {  	[hbm4b:s18+s3] =	stream.linear.scatter [tilespmem:s15], [sflag:$0x3], $0x4000, $0x38;
	[tilespmem:$0x16400] =	vst v63  }
0xee: {  	_ =	swait.ge [sflag:s8], $0x4000  }
0xef: {  	[sflag:s8] =	ssyncset.done $0x0  }
0xf0: {  	[sflag:s8] =	ssyncadd.s32 $0xFFFFC000  }
0xf1: {  	s16 =	sadd.s32 $0x1, s16  }
0xf2: {  	p0 =	sne.s32 s16, s7  }
.Ltmp3:
0xf3: {  	_ = 	snop;
	(pc) =	sbr.rel @p0 .LBB2_1-.Ltmp3, $1  }
0xf4: {  	_ =	sdelay $0x3  }
0xf5: {  	_ =	sfence.sel $0x180000  }
0xf6: {  	[bflag:$0x0] =	sbarrier.arrive $0xFFFF  }
0xf7: {  	p0 =	sne.s32 s0, $0x0;
	_ =	strace $0x90000047  }
0xf8: {  	s0 =	sadd.s32 @!p0 $0x100000, s1;
	[bflag:$0x2] =	sbarrier.arrive $0xFFFF  }
0xf9: {  	[sflag:s0] =	ssyncadd.tile.s32 @!p0 $0x1;
	_ =	shalt  }
.Lfunc_end2:
_tile_overlayer_lowered:
.L_overlay_start_2:
0xfa: {  	(tag) =	ssettag $0x2  }
0xfb: {  	s0 =	rddreg [dreg:$0x0];
	s2 =	stileid.u32  }
0xfc: {  	s1 =	rddreg [dreg:$0x1];
	p0 =	sne.s32 s2, $0x0  }
0xfd: {  	s3 =	rddreg [dreg:$0x2];
	[bflag:$0x3] =	sbarrier.arrive $0xFFFF;
	s2 =	simm.s32 @!p0 $0x1C03  }
0xfe: {  	[timem:s3], [sflag:s2] =	dma.local @!p0 [hbm:s0], s1  }
0xff: {  	s0 =	simm.s32 @!p0 $0x3  }
0x100: {  	_ =	swait.ge @!p0 [sflag:s0], s1  }
0x101: {  	s1 =	ssub.s32 @!p0 $0x0, s1;
	[sflag:s0] =	ssyncset.done @!p0 $0x0  }
0x102: {  	[sflag:s0] =	ssyncadd.s32 @!p0 s1  }
0x103: {  	[bflag:$0x3] =	sbarrier.arrive $0xFFFF  }
0x104: {  	_ =	shalt  }

// kernel: sparse-core-data-format-call.cloned.1.call-start
scs
called_computation_lowered:
.L_overlay_start_0:
0x0: {  	s2 =	sld [smem:$0x3FD9]  }
0x1: {  	s3 =	sld [smem:$0x3FFE];
	_ =	sdelay $0x1  }
0x2: {  	s1 =	srdreg.scid  }
0x3: {  	s0 =	sand.u32 $0x1, s1  }
0x4: {  	s18 =	sshll.u32 s0, $0xA;
	s2 =	sadd.s32 s3, s2  }
0x5: {  	s2 =	sadd.s32 s2, s18  }
0x6: {  	[smem:$0x3FC6] =	sst s2  }
0x7: {  	_ = 	snop  }
0x8: {  	s2 =	sld [smem:$0x3FD0];
	(tm) =	ssettm $0x1  }
0x9: {  	s19 =	sld [smem:$0x3FFB];
	_ =	sdelay $0x3  }
0xa: {  	_ =	strace s19  }
0xb: {  	s3 =	sld [smem:$0x3FFC];
	_ =	sdelay $0x3  }
0xc: {  	_ =	strace s3  }
0xd: {  	s3 =	sld [smem:$0x3FFD];
	_ =	sdelay $0x3  }
0xe: {  	_ =	strace s3  }
0xf: {  	_ =	strace $0x8FFFFFFF  }
0x10: {  	s20 =	sld [smem:$0x3FDB];
	_ =	sdelay $0x1  }
0x11: {  	s4 =	simm.s32 $_scs_section_size  }
0x12: {  	s5 =	simm.s32 $_size__tile_overlayer_lowered;
	s6 =	simm.s32 $_tile_overlayer_lowered  }
0x13: {  	s23 =	simm.s32 $0x1BFF;
	s22 =	sshll.u32 s6, $0x1;
	s3 =	sadd.s32 s4, s20  }
0x14: {  	s7 =	simm.s32 $0x0;
	s21 =	sshll.u32 s5, $0x1;
	s5 =	sadd.s32 s22, s3  }
0x15: {  	[timem:s7], [sflag:s23] =	dma.local [hbm:s5], s21  }
0x16: {  	_ =	swait.ge [sflag:s23], s21  }
0x17: {  	s4 =	ssub.s32 $0x0, s21;
	[sflag:s23] =	ssyncset.done $0x0  }
0x18: {  	[sflag:s23] =	ssyncadd.s32 s4;
	_ =	sdelay $0x1  }
0x19: {  	s24 =	simm.s32 $0x1B8B  }
0x1a: {  	_ =	swait.ge [sflag:s24], $0x1  }
0x1b: {  	[sflag:s24] =	ssyncset.done $0x0  }
0x1c: {  	s26 =	simm.s32 $0x1B8E;
	s25 =	sld [smem:$0x3FFE];
	[sflag:s24] =	ssyncadd.s32 $0xFFFFFFFF  }
0x1d: {  	s27 =	simm.s32 $execute0_lowered;
	[smem:$0x3FD2] =	sst s26  }
0x1e: {  	s5 =	sshll.u32 s27, $0x1;
	_ =	strace $0x80000049;
	[dreg:$0x1] =	wrdreg $0xFFFFFFFF  }
0x1f: {  	s28 =	simm.s32 $_size_execute0_lowered;
	s3 =	sadd.s32 s3, s5;
	[dreg:$0x0] =	wrdreg $0x0  }
0x20: {  	s5 =	sshll.u32 s28, $0x1;
	[dreg:$0x2] =	wrdreg s3  }
0x21: {  	[dreg:$0x3] =	wrdreg s5  }
0x22: {  	[dreg:$0x4] =	wrdreg $0xC0  }
0x23: {  	_ =	task [dreg:s7], $0x5FFFF  }
0x24: {  	[dreg:$0x1] =	wrdreg $0xFFFFFFFF  }
0x25: {  	[dreg:$0x0] =	wrdreg $0x60  }
0x26: {  	[dreg:$0x2] =	wrdreg s25  }
0x27: {  	[dreg:$0x3] =	wrdreg s2  }
0x28: {  	[dreg:$0x4] =	wrdreg $0x9  }
0x29: {  	_ =	task.clear_ibuf [dreg:s7], $0x5FFFF;
	_ =	strace $0x90000049  }
0x2a: {  	s29 =	simm.s32 $0x9;
	_ =	strace $0x8000004B  }
0x2b: {  	_ =	swait.ge [sflag:s29], $0x1  }
0x2c: {  	[sflag:s29] =	ssyncadd.s32 $0xFFFFFFFF  }
0x2d: {  	_ =	strace $0x9000004B  }
0x2e: {  	_ =	sfence  }
0x2f: {  	s30 =	sld [smem:$0x0];
	_ =	sdelay $0x2  }
0x30: {  	s31 =	sshll.u32 s1, $0xD;
	s1 =	sshrl.u32 s1, $0x2  }
0x31: {  	s3 =	sand.u32 $0x4000, s31;
	s1 =	sadd.s32 s1, s30  }
0x32: {  	s0 =	sor.u32 s3, s0;
	s1 =	sshll.u32 s1, $0x11  }
0x33: {  	s0 =	sor.u32 s1, s0  }
0x34: {  	s0 =	sadd.s32 $0x8F2B, s0  }
0x35: {  	[sflag:s0] =	ssyncadd.remote.s32 $0x1  }
0x36: {  	_ =	sfence.sel $0xFFFF  }
0x37: {  	[dreg:$0x0] =	wrdreg $0xFFFFFFFF;
	(pc) =	sbr.abs _section_cstart, $3  }
0x38: {  	[dreg:$0x1] =	wrdreg $0xFFFFFFFF  }
0x39: {  	_ =	task.clear_ibuf [dreg:s7], $0x2FFFF;
	_ =	strace $0x9FFFFFFF  }
0x3a: {  	(tm) =	ssettm $0x7FFFFFFF  }
0x3b: {  	_ =	shalt  }
tec
execute0_lowered:
.L_overlay_start_1:
0x0: {  	(tag) =	ssettag $0x1  }
0x1: {  	s0 =	srdreg.scid  }
0x2: {  	s1 =	sshll.u32 s0, $0x4  }
0x3: {  	s0 =	stileid.u32;
	s1 =	sand.u32 $0x10, s1  }
0x4: {  	s1 =	sor.u32 s0, s1  }
0x5: {  	s6 =	rddreg [dreg:$0x0];
	s4 =	simm.s32 $0x1;
	s2 =	sshll.u32 s1, $0x7  }
0x6: {  	s7 =	simm.s32 $0x2;
	s12 =	simm.s32 $0x0;
	s1 =	ssub.s32 $0x1000, s2  }
0x7: {  	s8 =	simm.s32 $0x8000;
	s13 =	simm.s32 $0x0;
	s3 =	sand.u32 $0xF80, s1  }
0x8: {  	s9 =	simm.s32 $0x0;
	s5 =	sshrl.u32 s1, $0xC;
	p0 =	sne.s32 s3, $0x0  }
.Ltmp0:
0x9: {  	s1 =	rddreg [dreg:$0x2];
	s4 =	simm.s32 @!p0 $0x0;
	(pc) =	sbr.rel .LBB1_1-.Ltmp0, $4  }
0xa: {  	s11 =	simm.s32 $0x0;
	s3 =	rddreg [dreg:$0x1];
	s5 =	sadd.s32 s4, s5  }
0xb: {  	_ =	strace $0x8000004A;
	s4 =	simm.s32 $0x1;
	s5 =	smul.u32 $0xC8, s5  }
0xc: {  	s6 =	sadd.s32 $0xA00, s6;
	s10 =	smov.u32 s2;
	[sflag:s4] =	ssyncpa.u1 $0x0  }
0xd: {  	p0 =	por $0x0, $0x0;
	[sflag:s7] =	ssyncpa.u1 $0x0;
	s7 =	sor.u32 $0x1, s5  }
.LBB1_4:
0xe: {  	s16 =	sshll.u32 s13, $0x3;
	s17 =	sand.u32 $0x78, s13  }
0xf: {  	s30 =	sand.u32 $0x7E00, s13;
	s12 =	sshll.u32 s12, $0xF;
	s16 =	sand.u32 $0xC00, s16  }
0x10: {  	[tilespmem:s15+$0x810 ss:$0x81] =	vst.msk $0xffff, v2;
	s31 =	sand.u32 $0x7, s13;
	s16 =	sor.u32 s17, s16;
	s17 =	sadd.s32 s3, s30  }
0x11: {  	[tilespmem:s15+$0x1020 ss:$0x81] =	vst.msk $0xffff, v0;
	s13 =	sshll.u32 s31, $0x12;
	s12 =	sadd.s32 s12, s17;
	s16 =	sshrl.u32 s16, $0x3  }
0x12: {  	[tilespmem:s15+$0x0 ss:$0x81] =	vst.msk $0xffff, v1;
	s13 =	sor.u32 $0x400, s13;
	s12 =	sadd.s32 s16, s12  }
0x13: {  	[hbm4b:s12+s13] =	stream.strided.scatter [tilespmem:s14], [sflag:$0x2], $0x2000, s8, s13, $0x20;
	[tilespmem:$0x8080] =	vst v63  }
.LBB1_5:
0x14: {  	s14 =	sadd.s32 $0x1, s9  }
0x15: {  	s12 =	sadd.s32 $0x1000, s10;
	s16 =	smov.u32 s10;
	p2 =	sgt.s32 s14, $0xC7  }
0x16: {  	s16 =	smov.u32 @p2 s12  }
0x17: {  	s14 =	simm.s32 @p2 $0x0;
	p2 =	sgt.s32 s16, $0xFFF  }
0x18: {  	s16 =	smov.u32 @p2 s2;
	p2 =	sne.s32 s11, s7  }
.Ltmp1:
0x19: {  	p1 =	slt.u32 s11, $0x2;
	(pc) =	sbr.rel @!p2 .LBB1_6-.Ltmp1, $4  }
0x1a: {  	s15 =	simm.s32 @!p1 $0x2  }
0x1b: {  	s13 =	smov.u32 s10;
	p0 =	por !p0, !p0;
	_ =	swait.ge @!p1 [sflag:s15], $0x2000  }
0x1c: {  	s12 =	smov.u32 s9;
	[sflag:s15] =	ssyncset.done @!p1 $0x0;
	s9 =	smov.u32 s14  }
0x1d: {  	s11 =	sadd.s32 $0x1, s11;
	[sflag:s15] =	ssyncadd.s32 @!p1 $0xFFFFE000;
	s10 =	smov.u32 s16  }
.LBB1_1:
0x1e: {  	p1 =	sge.u32 s11, s5  }
0x1f: {  	s14 =	sand.u32 @!p1 $0x1FFFFFF, s9  }
0x20: {  	s15 =	smulhi.u32 @!p1 $0x147AE15, s14;
	_ =	sdelay $0x1  }
0x21: {  	s15 =	smul.u32 @!p1 $0xC8, s15  }
0x22: {  	s16 =	sxor.u32 @!p1 $0xFFFFFFFF, s11;
	s17 =	smul.u32 @!p1 $0xC80, s10  }
0x23: {  	s31 =	sadd.s32 $0xFFFFFFFF, s11;
	s16 =	sshll.u32 @!p1 s16, $0xD;
	s14 =	ssub.s32 @!p1 s14, s15  }
0x24: {  	s15 =	sand.u32 @!p1 $0x2000, s16;
	s16 =	sadd.s32 @!p1 s6, s17;
	s14 =	sshll.u32 @!p1 s14, $0x4  }
0x25: {  	s17 =	simm.s32 @!p1 $0x6400;
	s14 =	sadd.s32 @!p1 s14, s16;
	s16 =	simm.s32 @!p1 $0x40  }
0x26: {  	[tilespmem:s15], [sflag:$0x1] =	stream.strided.gather @!p1 [hbm4b:s14+s16], $0x2000, s17, s16, $0x38;
	[tilespmem:$0x8080] =	vst v63  }
0x27: {  	p1 =	sge.u32 s31, s5  }
.Ltmp2:
0x28: {  	_ = 	snop;
	(pc) =	sbr.rel @p1 .LBB1_5-.Ltmp2, $1  }
0x29: {  	_ =	sdelay $0x3  }
0x2a: {  	s14 =	simm.s32 $0x1  }
0x2b: {  	_ =	swait.ge [sflag:s4], $0x2000;
	s14 =	simm.s32 @!p0 $0x0  }
0x2c: {  	[sflag:s4] =	ssyncset.done $0x0;
	s15 =	sshll.u32 s14, $0xD  }
0x2d: {  	[sflag:s4] =	ssyncadd.s32 $0xFFFFE000;
	s18 =	sor.u32 $0x20, s15  }
0x2e: {  	s14 =	smul.u32 $0x8100, s14;
	v3 =	vld [tilespmem:s18+$0x10]  }
0x2f: {  	s30 =	sand.u32 $0x1, s11;
	v2 =	vld [tilespmem:s18+$0xFFFFFFF0]  }
0x30: {  	s15 =	smul.u32 $0x8100, s30;
	s14 =	sshrl.u32 s14, $0x2;
	v0 =	vld [tilespmem:s18+$0x0]  }
0x31: {  	v1 =	vld [tilespmem:s18+$0xFFFFFFE0];
	s16 =	sor.u32 $0x4000, s14  }
0x32: {  	s31 =	sshrl.u32 s15, $0x2;
	s15 =	sadd.s32 $0x0, s16  }
0x33: {  	s17 =	simm.s32 $0x4;
	s18 =	sadd.s32 $0x40, s18;
	s14 =	sor.u32 $0x4000, s31;
	[tilespmem:s15+$0x1830 ss:$0x81] =	vst.msk $0xffff, v3  }
.LBB1_3:
0x34: {  	v3 =	vld [tilespmem:s18+$0x10];
	p1 =	sne.s32 s17, $0x1FC;
	[tilespmem:s15+$0x810 ss:$0x81] =	vst.msk $0xffff, v2;
	s19 =	smov.u32 s17;
	s17 =	sadd.s32 $0x4, s17  }
.Ltmp3:
0x35: {  	v2 =	vld [tilespmem:s18+$0xFFFFFFF0];
	[tilespmem:s15+$0x1020 ss:$0x81] =	vst.msk $0xffff, v0;
	(pc) =	sbr.rel @p1 .LBB1_3-.Ltmp3, $4  }
0x36: {  	v0 =	vld [tilespmem:s18+$0x0];
	[tilespmem:s15+$0x0 ss:$0x81] =	vst.msk $0xffff, v1  }
0x37: {  	s15 =	sshra.s32 s19, $0x2;
	v1 =	vld [tilespmem:s18+$0xFFFFFFE0]  }
0x38: {  	s15 =	sadd.s32 s15, s16  }
0x39: {  	s18 =	sadd.s32 $0x40, s18;
	[tilespmem:s15+$0x1830 ss:$0x81] =	vst.msk $0xffff, v3  }
.Ltmp4:
0x3a: {  	_ = 	snop;
	(pc) =	sbr.rel .LBB1_4-.Ltmp4, $1  }
0x3b: {  	_ =	sdelay $0x3  }
.LBB1_6:
0x3c: {  	_ =	sfence.sel $0x180000  }
0x3d: {  	s2 =	simm.s32 $0x1;
	[bflag:$0x0] =	sbarrier.arrive $0xFFFF  }
0x3e: {  	s31 =	simm.s32 $0x2;
	[sflag:s2] =	ssyncpa.u1 $0x1  }
0x3f: {  	[sflag:s31] =	ssyncpa.u1 $0x1  }
0x40: {  	p0 =	sne.s32 s0, $0x0;
	_ =	strace $0x9000004A  }
0x41: {  	s0 =	sadd.s32 @!p0 $0x100000, s1;
	[bflag:$0x2] =	sbarrier.arrive $0xFFFF  }
0x42: {  	[sflag:s0] =	ssyncadd.tile.s32 @!p0 $0x1;
	_ =	shalt  }
.Lfunc_end1:
_tile_overlayer_lowered:
.L_overlay_start_2:
0x43: {  	(tag) =	ssettag $0x2  }
0x44: {  	s0 =	rddreg [dreg:$0x0];
	s2 =	stileid.u32  }
0x45: {  	s1 =	rddreg [dreg:$0x1];
	p0 =	sne.s32 s2, $0x0  }
0x46: {  	s3 =	rddreg [dreg:$0x2];
	[bflag:$0x3] =	sbarrier.arrive $0xFFFF;
	s2 =	simm.s32 @!p0 $0x1C01  }
0x47: {  	[timem:s3], [sflag:s2] =	dma.local @!p0 [hbm:s0], s1  }
0x48: {  	s0 =	simm.s32 @!p0 $0x1  }
0x49: {  	_ =	swait.ge @!p0 [sflag:s0], s1  }
0x4a: {  	s1 =	ssub.s32 @!p0 $0x0, s1;
	[sflag:s0] =	ssyncset.done @!p0 $0x0  }
0x4b: {  	[sflag:s0] =	ssyncadd.s32 @!p0 s1  }
0x4c: {  	[bflag:$0x3] =	sbarrier.arrive $0xFFFF  }
0x4d: {  	_ =	shalt  }

</sc_bundles>
